<compile_context>
chip_gen: v7x
topology: tpu7x:2x2x1
jax: 0.10.2.dev20260603
libtpu: 0.0.44.dev20260713+nightly
codegen_flags: <defaults>
</compile_context>

<pallas_src>
import functools

import jax
import jax.numpy as jnp
from jax import lax
from jax.experimental import pallas as pl
from jax.experimental.pallas import tpu as pltpu
from jax.experimental.pallas import tpu_sc as plsc

NC = 2
NS = 16
NW = NC * NS
B = 4096
D = 128
N_OBJ = 64
B_PER_W = B // NW
THRESHOLD = 4.0


N_CHUNKS = 1
ROWS_PER_CHUNK = B_PER_W // N_CHUNKS


def _valuation_body(zs_hbm, ti_hbm, out_hbm, ti_v, ia_v, ib_v, a_v, b_v, o_v,
                    sems):
    wid = lax.axis_index("s") * NC + lax.axis_index("c")
    base = wid * B_PER_W

    pltpu.sync_copy(ti_hbm, ti_v.at[pl.ds(8, 2)])
    ones = jnp.full((16,), 1, jnp.int32)
    i_vec = plsc.load_gather(ti_v, [ones * 8])
    j_vec = plsc.load_gather(ti_v, [ones * 9])

    iota = lax.iota(jnp.int32, 16)
    for c in range(B_PER_W // 16):
        r = (base + c * 16 + iota) * N_OBJ
        ia_v[pl.ds(c * 16, 16)] = r + i_vec
        ib_v[pl.ds(c * 16, 16)] = r + j_vec

    copies = []
    for ch in range(N_CHUNKS):
        r0 = ch * ROWS_PER_CHUNK
        cp_a = pltpu.async_copy(zs_hbm.at[ia_v.at[pl.ds(r0, ROWS_PER_CHUNK)]],
                                a_v.at[pl.ds(r0, ROWS_PER_CHUNK)], sems[ch])
        cp_b = pltpu.async_copy(zs_hbm.at[ib_v.at[pl.ds(r0, ROWS_PER_CHUNK)]],
                                b_v.at[pl.ds(r0, ROWS_PER_CHUNK)], sems[ch])
        copies.append((cp_a, cp_b))

    def group_body(g, _):
        rv = g * 16 + iota

        def col_step(k, carry):
            acc, cv = carry
            av = plsc.load_gather(a_v, [rv, cv])
            bv = plsc.load_gather(b_v, [rv, cv])
            d = av - bv
            return acc + d * d, (cv + 1) & (D - 1)

        acc, _ = lax.fori_loop(
            0, D, col_step,
            (jnp.zeros((16,), jnp.float32), iota),
            unroll=16)

        x = acc + 1e-12
        bits = plsc.bitcast(x, jnp.int32)
        y = plsc.bitcast(jnp.int32(0x5F3759DF) - (bits >> 1), jnp.float32)
        for _ in range(3):
            y = y * (1.5 - 0.5 * x * y * y)
        dist = x * y
        prob = 0.01 + 0.98 / (1.0 + jnp.exp(dist - THRESHOLD))
        o_v[pl.ds(g * 16, 16)] = prob
        return 0

    groups_per_chunk = ROWS_PER_CHUNK // 16
    for ch in range(N_CHUNKS):
        copies[ch][0].wait()
        copies[ch][1].wait()
        lax.fori_loop(ch * groups_per_chunk, (ch + 1) * groups_per_chunk,
                      group_body, 0)

    pltpu.sync_copy(o_v, out_hbm.at[pl.ds(base, B_PER_W)])


_valuation_sc = functools.partial(
    pl.kernel,
    out_type=jax.ShapeDtypeStruct((B,), jnp.float32),
    mesh=plsc.VectorSubcoreMesh(
        core_axis_name="c", subcore_axis_name="s",
        num_cores=NC, num_subcores=NS),
    scratch_types=[
        pltpu.VMEM((32,), jnp.int32),
        pltpu.VMEM((B_PER_W,), jnp.int32),
        pltpu.VMEM((B_PER_W,), jnp.int32),
        pltpu.VMEM((B_PER_W, D), jnp.float32),
        pltpu.VMEM((B_PER_W, D), jnp.float32),
        pltpu.VMEM((B_PER_W,), jnp.float32),
        [pltpu.SemaphoreType.DMA] * N_CHUNKS,
    ],
    compiler_params=pltpu.CompilerParams(needs_layout_passes=False,
                                         skip_device_barrier=True,
                                         disable_bounds_checks=True,
                                         disable_semaphore_checks=True),
)(_valuation_body)


def kernel(zs, term_idx):
    zs2 = zs.reshape(B * N_OBJ, D)
    return _valuation_sc(zs2, term_idx.astype(jnp.int32))

# --- scband reference (transcript-rebuilt; emitter-appended) ---
"""Pipeline reference for scband-valuation-module-6219112645041 (READ-ONLY COPY).

The authoritative reference and input builder live on the scoring server;
editing this copy changes nothing except your own understanding.
"""

import jax, jax.numpy as jnp
import numpy as np

# ValuationModule.forward(zs, atom):
#   1. looks up the valuation function for atom.pred.name
#   2. grounds each term of the atom to a tensor via ground_to_tensor,
#      which for object constants is a gather: zs[:, obj_index]
#   3. applies the valuation function to the grounded args.
# We emulate a binary predicate like close_by(obj_i, obj_j): the two term
# indices are gathered from the object axis of zs, and the valuation
# function maps the pair of object tensors to a probability in (0, 1)
# via a smooth distance-based score (standard in these neuro-symbolic
# valuation functions; the hard bool2probs variant where(b, 0.99, 0.01)
# is the non-differentiable special case).

THRESHOLD = 4.0

def setup_inputs(seed: int = 0) -> dict:
    key = jax.random.key(seed)
    k1, k2 = jax.random.split(key)
    zs = jax.random.normal(k1, (4096, 64, 128), dtype=jnp.float32)
    term_idx = jax.random.randint(k2, (2,), 0, 64, dtype=jnp.int64)
    return {"zs": zs, "term_idx": term_idx}

def reference(zs, term_idx):
    # ground_to_tensor for each term: gather object slices zs[:, obj_index]
    args = jnp.take(zs, term_idx, axis=1)  # [B, 2, d_obj]
    a = args[:, 0]  # [B, d_obj]
    b = args[:, 1]  # [B, d_obj]
    # valuation function: smooth closeness predicate
    dist = jnp.sqrt(jnp.sum((a - b) ** 2, axis=-1) + 1e-12)  # [B]
    prob = jax.nn.sigmoid(THRESHOLD - dist)  # [B], in (0, 1)
    # clamp into the [0.01, 0.99] probability band used by bool2probs
    prob = 0.01 + 0.98 * prob
    return prob

if __name__ == "__main__":
    import jax
    _d = setup_inputs()
    print(jax.jit(kernel)(*tuple(_d.values())))

</pallas_src>

<mosaic_0001>
#map = affine_map<(d0, d1) -> (0, 0)>
#map1 = affine_map<(d0, d1) -> (0)>
module attributes {stable_mosaic.version = 14 : i64} {
  func.func @_valuation_body(%arg0: i32, %arg1: i32, %arg2: memref<262144x128xf32, #tpu.memory_space<hbm>>, %arg3: memref<2xi32, #tpu.memory_space<hbm>>, %arg4: memref<4096xf32, #tpu.memory_space<hbm>>, %arg5: memref<32xi32, #tpu.memory_space<vmem>>, %arg6: memref<128xi32, #tpu.memory_space<vmem>>, %arg7: memref<128xi32, #tpu.memory_space<vmem>>, %arg8: memref<128x128xf32, #tpu.memory_space<vmem>>, %arg9: memref<128x128xf32, #tpu.memory_space<vmem>>, %arg10: memref<128xf32, #tpu.memory_space<vmem>>, %arg11: memref<!tpu.dma_semaphore, #tpu.memory_space<semaphore_mem>>) attributes {dimension_semantics = [#tpu.dimension_semantics<core_parallel>, #tpu.dimension_semantics<subcore_parallel>], iteration_bounds = array<i64: 2, 16>, scalar_prefetch = 0 : i64, scratch_operands = 7 : i64, tpu.core_type = #tpu.core_type<sc_vector_subcore>, window_params = [{transform_indices = #map}, {transform_indices = #map1}, {transform_indices = #map1}]} {
    %mul3A = arith.constant 2 : i32
    %mul3A_0 = arith.muli %arg1, %mul3A : i32
    %add3A = arith.addi %mul3A_0, %arg0 : i32
    %mul3A_1 = arith.constant 128 : i32
    %mul3A_2 = arith.muli %add3A, %mul3A_1 : i32
    "tpu.region"() ({
      %run_scoped3A = tpu.sem_alloc : memref<!tpu.dma_semaphore, #tpu.memory_space<semaphore_mem>>
      %dma_start3A_150 = arith.constant 8 : i32
      %dma_start3A_151 = tpu.memref_slice %arg5[%dma_start3A_150] : memref<32xi32, #tpu.memory_space<vmem>> -> memref<2xi32, #tpu.memory_space<vmem>>
      %dma_start3A_152 = arith.constant 8 : i32
      %dma_start3A_153 = tpu.memref_slice %arg5[%dma_start3A_152] : memref<32xi32, #tpu.memory_space<vmem>> -> memref<2xi32, #tpu.memory_space<vmem>>
      tpu.enqueue_dma source(%arg3 : memref<2xi32, #tpu.memory_space<hbm>>) target(%dma_start3A_153 : memref<2xi32, #tpu.memory_space<vmem>>) target_semaphore(%run_scoped3A : memref<!tpu.dma_semaphore, #tpu.memory_space<semaphore_mem>>)
      %dma_wait3A_154 = arith.constant 8 : i32
      %dma_wait3A_155 = tpu.memref_slice %arg5[%dma_wait3A_154] : memref<32xi32, #tpu.memory_space<vmem>> -> memref<2xi32, #tpu.memory_space<vmem>>
      %dma_wait3A_156 = arith.constant 8 : i32
      %dma_wait3A_157 = tpu.memref_slice %arg5[%dma_wait3A_156] : memref<32xi32, #tpu.memory_space<vmem>> -> memref<2xi32, #tpu.memory_space<vmem>>
      tpu.wait_dma2 semaphore(%run_scoped3A : memref<!tpu.dma_semaphore, #tpu.memory_space<semaphore_mem>>) src(%arg3 : memref<2xi32, #tpu.memory_space<hbm>>) dst(%dma_wait3A_157 : memref<2xi32, #tpu.memory_space<vmem>>)
      tpu.yield
    }) : () -> ()
    %broadcast_in_dim3A = arith.constant 1 : i32
    %broadcast_in_dim3A_3 = vector.broadcast %broadcast_in_dim3A : i32 to vector<16xi32>
    %mul3A_4 = arith.constant 8 : i32
    %mul3A_5 = vector.broadcast %mul3A_4 : i32 to vector<16xi32>
    %mul3A_6 = arith.muli %broadcast_in_dim3A_3, %mul3A_5 : vector<16xi32>
    %gather3A = tpu.vector_load_idx %arg5[%mul3A_6] : memref<32xi32, #tpu.memory_space<vmem>>[vector<16xi32>], vector<16xi32>,
    %mul3A_7 = arith.constant 9 : i32
    %mul3A_8 = vector.broadcast %mul3A_7 : i32 to vector<16xi32>
    %mul3A_9 = arith.muli %broadcast_in_dim3A_3, %mul3A_8 : vector<16xi32>
    %gather3A_10 = tpu.vector_load_idx %arg5[%mul3A_9] : memref<32xi32, #tpu.memory_space<vmem>>[vector<16xi32>], vector<16xi32>,
    %iota3A = tpu.iota {dimensions = array<i32: 0>} : vector<16xi32>
    %add3A_11 = arith.constant 0 : i32
    %add3A_12 = arith.addi %mul3A_2, %add3A_11 : i32
    %add3A_13 = vector.broadcast %add3A_12 : i32 to vector<16xi32>
    %add3A_14 = arith.addi %add3A_13, %iota3A : vector<16xi32>
    %mul3A_15 = arith.constant 64 : i32
    %mul3A_16 = vector.broadcast %mul3A_15 : i32 to vector<16xi32>
    %mul3A_17 = arith.muli %add3A_14, %mul3A_16 : vector<16xi32>
    %add3A_18 = arith.addi %mul3A_17, %gather3A : vector<16xi32>
    %swap3A = arith.constant 0 : index
    %swap3A_19 = tpu.vector_load %arg6[%swap3A] {strides = array<i32>} : memref<128xi32, #tpu.memory_space<vmem>>, vector<16xi32>,
    tpu.vector_store %arg6[%swap3A], %add3A_18 {strides = array<i32>} : memref<128xi32, #tpu.memory_space<vmem>>, vector<16xi32>,
    %add3A_20 = arith.addi %mul3A_17, %gather3A_10 : vector<16xi32>
    %swap3A_21 = arith.constant 0 : index
    %swap3A_22 = tpu.vector_load %arg7[%swap3A_21] {strides = array<i32>} : memref<128xi32, #tpu.memory_space<vmem>>, vector<16xi32>,
    tpu.vector_store %arg7[%swap3A_21], %add3A_20 {strides = array<i32>} : memref<128xi32, #tpu.memory_space<vmem>>, vector<16xi32>,
    %add3A_23 = arith.constant 16 : i32
    %add3A_24 = arith.addi %mul3A_2, %add3A_23 : i32
    %add3A_25 = vector.broadcast %add3A_24 : i32 to vector<16xi32>
    %add3A_26 = arith.addi %add3A_25, %iota3A : vector<16xi32>
    %mul3A_27 = arith.constant 64 : i32
    %mul3A_28 = vector.broadcast %mul3A_27 : i32 to vector<16xi32>
    %mul3A_29 = arith.muli %add3A_26, %mul3A_28 : vector<16xi32>
    %add3A_30 = arith.addi %mul3A_29, %gather3A : vector<16xi32>
    %swap3A_31 = arith.constant 16 : index
    %swap3A_32 = tpu.vector_load %arg6[%swap3A_31] {strides = array<i32>} : memref<128xi32, #tpu.memory_space<vmem>>, vector<16xi32>,
    tpu.vector_store %arg6[%swap3A_31], %add3A_30 {strides = array<i32>} : memref<128xi32, #tpu.memory_space<vmem>>, vector<16xi32>,
    %add3A_33 = arith.addi %mul3A_29, %gather3A_10 : vector<16xi32>
    %swap3A_34 = arith.constant 16 : index
    %swap3A_35 = tpu.vector_load %arg7[%swap3A_34] {strides = array<i32>} : memref<128xi32, #tpu.memory_space<vmem>>, vector<16xi32>,
    tpu.vector_store %arg7[%swap3A_34], %add3A_33 {strides = array<i32>} : memref<128xi32, #tpu.memory_space<vmem>>, vector<16xi32>,
    %add3A_36 = arith.constant 32 : i32
    %add3A_37 = arith.addi %mul3A_2, %add3A_36 : i32
    %add3A_38 = vector.broadcast %add3A_37 : i32 to vector<16xi32>
    %add3A_39 = arith.addi %add3A_38, %iota3A : vector<16xi32>
    %mul3A_40 = arith.constant 64 : i32
    %mul3A_41 = vector.broadcast %mul3A_40 : i32 to vector<16xi32>
    %mul3A_42 = arith.muli %add3A_39, %mul3A_41 : vector<16xi32>
    %add3A_43 = arith.addi %mul3A_42, %gather3A : vector<16xi32>
    %swap3A_44 = arith.constant 32 : index
    %swap3A_45 = tpu.vector_load %arg6[%swap3A_44] {strides = array<i32>} : memref<128xi32, #tpu.memory_space<vmem>>, vector<16xi32>,
    tpu.vector_store %arg6[%swap3A_44], %add3A_43 {strides = array<i32>} : memref<128xi32, #tpu.memory_space<vmem>>, vector<16xi32>,
    %add3A_46 = arith.addi %mul3A_42, %gather3A_10 : vector<16xi32>
    %swap3A_47 = arith.constant 32 : index
    %swap3A_48 = tpu.vector_load %arg7[%swap3A_47] {strides = array<i32>} : memref<128xi32, #tpu.memory_space<vmem>>, vector<16xi32>,
    tpu.vector_store %arg7[%swap3A_47], %add3A_46 {strides = array<i32>} : memref<128xi32, #tpu.memory_space<vmem>>, vector<16xi32>,
    %add3A_49 = arith.constant 48 : i32
    %add3A_50 = arith.addi %mul3A_2, %add3A_49 : i32
    %add3A_51 = vector.broadcast %add3A_50 : i32 to vector<16xi32>
    %add3A_52 = arith.addi %add3A_51, %iota3A : vector<16xi32>
    %mul3A_53 = arith.constant 64 : i32
    %mul3A_54 = vector.broadcast %mul3A_53 : i32 to vector<16xi32>
    %mul3A_55 = arith.muli %add3A_52, %mul3A_54 : vector<16xi32>
    %add3A_56 = arith.addi %mul3A_55, %gather3A : vector<16xi32>
    %swap3A_57 = arith.constant 48 : index
    %swap3A_58 = tpu.vector_load %arg6[%swap3A_57] {strides = array<i32>} : memref<128xi32, #tpu.memory_space<vmem>>, vector<16xi32>,
    tpu.vector_store %arg6[%swap3A_57], %add3A_56 {strides = array<i32>} : memref<128xi32, #tpu.memory_space<vmem>>, vector<16xi32>,
    %add3A_59 = arith.addi %mul3A_55, %gather3A_10 : vector<16xi32>
    %swap3A_60 = arith.constant 48 : index
    %swap3A_61 = tpu.vector_load %arg7[%swap3A_60] {strides = array<i32>} : memref<128xi32, #tpu.memory_space<vmem>>, vector<16xi32>,
    tpu.vector_store %arg7[%swap3A_60], %add3A_59 {strides = array<i32>} : memref<128xi32, #tpu.memory_space<vmem>>, vector<16xi32>,
    %add3A_62 = arith.constant 64 : i32
    %add3A_63 = arith.addi %mul3A_2, %add3A_62 : i32
    %add3A_64 = vector.broadcast %add3A_63 : i32 to vector<16xi32>
    %add3A_65 = arith.addi %add3A_64, %iota3A : vector<16xi32>
    %mul3A_66 = arith.constant 64 : i32
    %mul3A_67 = vector.broadcast %mul3A_66 : i32 to vector<16xi32>
    %mul3A_68 = arith.muli %add3A_65, %mul3A_67 : vector<16xi32>
    %add3A_69 = arith.addi %mul3A_68, %gather3A : vector<16xi32>
    %swap3A_70 = arith.constant 64 : index
    %swap3A_71 = tpu.vector_load %arg6[%swap3A_70] {strides = array<i32>} : memref<128xi32, #tpu.memory_space<vmem>>, vector<16xi32>,
    tpu.vector_store %arg6[%swap3A_70], %add3A_69 {strides = array<i32>} : memref<128xi32, #tpu.memory_space<vmem>>, vector<16xi32>,
    %add3A_72 = arith.addi %mul3A_68, %gather3A_10 : vector<16xi32>
    %swap3A_73 = arith.constant 64 : index
    %swap3A_74 = tpu.vector_load %arg7[%swap3A_73] {strides = array<i32>} : memref<128xi32, #tpu.memory_space<vmem>>, vector<16xi32>,
    tpu.vector_store %arg7[%swap3A_73], %add3A_72 {strides = array<i32>} : memref<128xi32, #tpu.memory_space<vmem>>, vector<16xi32>,
    %add3A_75 = arith.constant 80 : i32
    %add3A_76 = arith.addi %mul3A_2, %add3A_75 : i32
    %add3A_77 = vector.broadcast %add3A_76 : i32 to vector<16xi32>
    %add3A_78 = arith.addi %add3A_77, %iota3A : vector<16xi32>
    %mul3A_79 = arith.constant 64 : i32
    %mul3A_80 = vector.broadcast %mul3A_79 : i32 to vector<16xi32>
    %mul3A_81 = arith.muli %add3A_78, %mul3A_80 : vector<16xi32>
    %add3A_82 = arith.addi %mul3A_81, %gather3A : vector<16xi32>
    %swap3A_83 = arith.constant 80 : index
    %swap3A_84 = tpu.vector_load %arg6[%swap3A_83] {strides = array<i32>} : memref<128xi32, #tpu.memory_space<vmem>>, vector<16xi32>,
    tpu.vector_store %arg6[%swap3A_83], %add3A_82 {strides = array<i32>} : memref<128xi32, #tpu.memory_space<vmem>>, vector<16xi32>,
    %add3A_85 = arith.addi %mul3A_81, %gather3A_10 : vector<16xi32>
    %swap3A_86 = arith.constant 80 : index
    %swap3A_87 = tpu.vector_load %arg7[%swap3A_86] {strides = array<i32>} : memref<128xi32, #tpu.memory_space<vmem>>, vector<16xi32>,
    tpu.vector_store %arg7[%swap3A_86], %add3A_85 {strides = array<i32>} : memref<128xi32, #tpu.memory_space<vmem>>, vector<16xi32>,
    %add3A_88 = arith.constant 96 : i32
    %add3A_89 = arith.addi %mul3A_2, %add3A_88 : i32
    %add3A_90 = vector.broadcast %add3A_89 : i32 to vector<16xi32>
    %add3A_91 = arith.addi %add3A_90, %iota3A : vector<16xi32>
    %mul3A_92 = arith.constant 64 : i32
    %mul3A_93 = vector.broadcast %mul3A_92 : i32 to vector<16xi32>
    %mul3A_94 = arith.muli %add3A_91, %mul3A_93 : vector<16xi32>
    %add3A_95 = arith.addi %mul3A_94, %gather3A : vector<16xi32>
    %swap3A_96 = arith.constant 96 : index
    %swap3A_97 = tpu.vector_load %arg6[%swap3A_96] {strides = array<i32>} : memref<128xi32, #tpu.memory_space<vmem>>, vector<16xi32>,
    tpu.vector_store %arg6[%swap3A_96], %add3A_95 {strides = array<i32>} : memref<128xi32, #tpu.memory_space<vmem>>, vector<16xi32>,
    %add3A_98 = arith.addi %mul3A_94, %gather3A_10 : vector<16xi32>
    %swap3A_99 = arith.constant 96 : index
    %swap3A_100 = tpu.vector_load %arg7[%swap3A_99] {strides = array<i32>} : memref<128xi32, #tpu.memory_space<vmem>>, vector<16xi32>,
    tpu.vector_store %arg7[%swap3A_99], %add3A_98 {strides = array<i32>} : memref<128xi32, #tpu.memory_space<vmem>>, vector<16xi32>,
    %add3A_101 = arith.constant 112 : i32
    %add3A_102 = arith.addi %mul3A_2, %add3A_101 : i32
    %add3A_103 = vector.broadcast %add3A_102 : i32 to vector<16xi32>
    %add3A_104 = arith.addi %add3A_103, %iota3A : vector<16xi32>
    %mul3A_105 = arith.constant 64 : i32
    %mul3A_106 = vector.broadcast %mul3A_105 : i32 to vector<16xi32>
    %mul3A_107 = arith.muli %add3A_104, %mul3A_106 : vector<16xi32>
    %add3A_108 = arith.addi %mul3A_107, %gather3A : vector<16xi32>
    %swap3A_109 = arith.constant 112 : index
    %swap3A_110 = tpu.vector_load %arg6[%swap3A_109] {strides = array<i32>} : memref<128xi32, #tpu.memory_space<vmem>>, vector<16xi32>,
    tpu.vector_store %arg6[%swap3A_109], %add3A_108 {strides = array<i32>} : memref<128xi32, #tpu.memory_space<vmem>>, vector<16xi32>,
    %add3A_111 = arith.addi %mul3A_107, %gather3A_10 : vector<16xi32>
    %swap3A_112 = arith.constant 112 : index
    %swap3A_113 = tpu.vector_load %arg7[%swap3A_112] {strides = array<i32>} : memref<128xi32, #tpu.memory_space<vmem>>, vector<16xi32>,
    tpu.vector_store %arg7[%swap3A_112], %add3A_111 {strides = array<i32>} : memref<128xi32, #tpu.memory_space<vmem>>, vector<16xi32>,
    %dma_start3A = arith.constant 0 : i32
    %dma_start3A_114 = arith.constant 0 : i32
    %dma_start3A_115 = tpu.memref_slice %arg8[%dma_start3A, %dma_start3A_114] : memref<128x128xf32, #tpu.memory_space<vmem>> -> memref<128x128xf32, #tpu.memory_space<vmem>>
    %dma_start3A_116 = arith.constant 0 : i32
    %dma_start3A_117 = tpu.memref_slice %arg6[%dma_start3A_116] : memref<128xi32, #tpu.memory_space<vmem>> -> memref<128xi32, #tpu.memory_space<vmem>>
    %dma_start3A_118 = arith.constant 0 : i32
    %dma_start3A_119 = arith.constant 0 : i32
    %dma_start3A_120 = tpu.memref_slice %arg2[%dma_start3A_118, %dma_start3A_119] : memref<262144x128xf32, #tpu.memory_space<hbm>> -> memref<262144x128xf32, #tpu.memory_space<hbm>>
    tpu.enqueue_indirect_dma source(%dma_start3A_120 : memref<262144x128xf32, #tpu.memory_space<hbm>>) target(%dma_start3A_115 : memref<128x128xf32, #tpu.memory_space<vmem>>) offsets(%dma_start3A_117 : memref<128xi32, #tpu.memory_space<vmem>>) semaphore(%arg11 : memref<!tpu.dma_semaphore, #tpu.memory_space<semaphore_mem>>)
    %dma_start3A_121 = arith.constant 0 : i32
    %dma_start3A_122 = arith.constant 0 : i32
    %dma_start3A_123 = tpu.memref_slice %arg9[%dma_start3A_121, %dma_start3A_122] : memref<128x128xf32, #tpu.memory_space<vmem>> -> memref<128x128xf32, #tpu.memory_space<vmem>>
    %dma_start3A_124 = arith.constant 0 : i32
    %dma_start3A_125 = tpu.memref_slice %arg7[%dma_start3A_124] : memref<128xi32, #tpu.memory_space<vmem>> -> memref<128xi32, #tpu.memory_space<vmem>>
    %dma_start3A_126 = arith.constant 0 : i32
    %dma_start3A_127 = arith.constant 0 : i32
    %dma_start3A_128 = tpu.memref_slice %arg2[%dma_start3A_126, %dma_start3A_127] : memref<262144x128xf32, #tpu.memory_space<hbm>> -> memref<262144x128xf32, #tpu.memory_space<hbm>>
    tpu.enqueue_indirect_dma source(%dma_start3A_128 : memref<262144x128xf32, #tpu.memory_space<hbm>>) target(%dma_start3A_123 : memref<128x128xf32, #tpu.memory_space<vmem>>) offsets(%dma_start3A_125 : memref<128xi32, #tpu.memory_space<vmem>>) semaphore(%arg11 : memref<!tpu.dma_semaphore, #tpu.memory_space<semaphore_mem>>)
    %dma_wait3A = arith.constant 0 : i32
    %dma_wait3A_129 = arith.constant 0 : i32
    %dma_wait3A_130 = tpu.memref_slice %arg8[%dma_wait3A, %dma_wait3A_129] : memref<128x128xf32, #tpu.memory_space<vmem>> -> memref<128x128xf32, #tpu.memory_space<vmem>>
    %dma_wait3A_131 = arith.constant 0 : i32
    %dma_wait3A_132 = tpu.memref_slice %arg6[%dma_wait3A_131] : memref<128xi32, #tpu.memory_space<vmem>> -> memref<128xi32, #tpu.memory_space<vmem>>
    %dma_wait3A_133 = arith.constant 0 : i32
    %dma_wait3A_134 = arith.constant 0 : i32
    %dma_wait3A_135 = tpu.memref_slice %arg2[%dma_wait3A_133, %dma_wait3A_134] : memref<262144x128xf32, #tpu.memory_space<hbm>> -> memref<262144x128xf32, #tpu.memory_space<hbm>>
    tpu.wait_indirect_dma semaphore(%arg11 : memref<!tpu.dma_semaphore, #tpu.memory_space<semaphore_mem>>) src(%dma_wait3A_135 : memref<262144x128xf32, #tpu.memory_space<hbm>>) dst(%dma_wait3A_130 : memref<128x128xf32, #tpu.memory_space<vmem>>)
    %dma_wait3A_136 = arith.constant 0 : i32
    %dma_wait3A_137 = arith.constant 0 : i32
    %dma_wait3A_138 = tpu.memref_slice %arg9[%dma_wait3A_136, %dma_wait3A_137] : memref<128x128xf32, #tpu.memory_space<vmem>> -> memref<128x128xf32, #tpu.memory_space<vmem>>
    %dma_wait3A_139 = arith.constant 0 : i32
    %dma_wait3A_140 = tpu.memref_slice %arg7[%dma_wait3A_139] : memref<128xi32, #tpu.memory_space<vmem>> -> memref<128xi32, #tpu.memory_space<vmem>>
    %dma_wait3A_141 = arith.constant 0 : i32
    %dma_wait3A_142 = arith.constant 0 : i32
    %dma_wait3A_143 = tpu.memref_slice %arg2[%dma_wait3A_141, %dma_wait3A_142] : memref<262144x128xf32, #tpu.memory_space<hbm>> -> memref<262144x128xf32, #tpu.memory_space<hbm>>
    tpu.wait_indirect_dma semaphore(%arg11 : memref<!tpu.dma_semaphore, #tpu.memory_space<semaphore_mem>>) src(%dma_wait3A_143 : memref<262144x128xf32, #tpu.memory_space<hbm>>) dst(%dma_wait3A_138 : memref<128x128xf32, #tpu.memory_space<vmem>>)
    %scan3A = arith.constant 0 : i32
    %scan3A_144 = arith.constant 0 : i32
    %scan3A_145 = arith.constant 8 : i32
    %scan3A_146 = arith.addi %scan3A_144, %scan3A_145 : i32
    %scan3A_147 = arith.constant 1 : i32
    %scan3A_148 = scf.for %scan3A_150 = %scan3A_144 to %scan3A_146 step %scan3A_147 iter_args(%scan3A_151 = %scan3A) -> (i32)  : i32 {
      %mul3A_152 = arith.constant 16 : i32
      %mul3A_153 = arith.muli %scan3A_150, %mul3A_152 : i32
      %add3A_154 = vector.broadcast %mul3A_153 : i32 to vector<16xi32>
      %add3A_155 = arith.addi %add3A_154, %iota3A : vector<16xi32>
      %broadcast_in_dim3A_156 = arith.constant 0.000000e+00 : f32
      %broadcast_in_dim3A_157 = vector.broadcast %broadcast_in_dim3A_156 : f32 to vector<16xf32>
      %scan3A_158 = arith.constant 0 : i32
      %scan3A_159 = arith.constant 128 : i32
      %scan3A_160 = arith.addi %scan3A_158, %scan3A_159 : i32
      %scan3A_161 = arith.constant 16 : i32
      %scan3A_162:2 = scf.for %scan3A_216 = %scan3A_158 to %scan3A_160 step %scan3A_161 iter_args(%scan3A_217 = %broadcast_in_dim3A_157, %scan3A_218 = %iota3A) -> (vector<16xf32>, vector<16xi32>)  : i32 {
        %gather3A_219 = tpu.vector_load_idx %arg8[%add3A_155, %scan3A_218] : memref<128x128xf32, #tpu.memory_space<vmem>>[vector<16xi32>, vector<16xi32>], vector<16xf32>,
        %gather3A_220 = tpu.vector_load_idx %arg9[%add3A_155, %scan3A_218] : memref<128x128xf32, #tpu.memory_space<vmem>>[vector<16xi32>, vector<16xi32>], vector<16xf32>,
        %sub3A_221 = arith.subf %gather3A_219, %gather3A_220 : vector<16xf32>
        %mul3A_222 = arith.mulf %sub3A_221, %sub3A_221 : vector<16xf32>
        %add3A_223 = arith.addf %scan3A_217, %mul3A_222 : vector<16xf32>
        %add3A_224 = arith.constant 1 : i32
        %add3A_225 = vector.broadcast %add3A_224 : i32 to vector<16xi32>
        %add3A_226 = arith.addi %scan3A_218, %add3A_225 : vector<16xi32>
        %and3A = arith.constant 127 : i32
        %and3A_227 = vector.broadcast %and3A : i32 to vector<16xi32>
        %and3A_228 = arith.andi %add3A_226, %and3A_227 : vector<16xi32>
        %scan3A_229 = arith.constant 1 : i32
        %scan3A_230 = arith.addi %scan3A_216, %scan3A_229 : i32
        %gather3A_231 = tpu.vector_load_idx %arg8[%add3A_155, %and3A_228] : memref<128x128xf32, #tpu.memory_space<vmem>>[vector<16xi32>, vector<16xi32>], vector<16xf32>,
        %gather3A_232 = tpu.vector_load_idx %arg9[%add3A_155, %and3A_228] : memref<128x128xf32, #tpu.memory_space<vmem>>[vector<16xi32>, vector<16xi32>], vector<16xf32>,
        %sub3A_233 = arith.subf %gather3A_231, %gather3A_232 : vector<16xf32>
        %mul3A_234 = arith.mulf %sub3A_233, %sub3A_233 : vector<16xf32>
        %add3A_235 = arith.addf %add3A_223, %mul3A_234 : vector<16xf32>
        %add3A_236 = arith.constant 1 : i32
        %add3A_237 = vector.broadcast %add3A_236 : i32 to vector<16xi32>
        %add3A_238 = arith.addi %and3A_228, %add3A_237 : vector<16xi32>
        %and3A_239 = arith.constant 127 : i32
        %and3A_240 = vector.broadcast %and3A_239 : i32 to vector<16xi32>
        %and3A_241 = arith.andi %add3A_238, %and3A_240 : vector<16xi32>
        %scan3A_242 = arith.constant 2 : i32
        %scan3A_243 = arith.addi %scan3A_216, %scan3A_242 : i32
        %gather3A_244 = tpu.vector_load_idx %arg8[%add3A_155, %and3A_241] : memref<128x128xf32, #tpu.memory_space<vmem>>[vector<16xi32>, vector<16xi32>], vector<16xf32>,
        %gather3A_245 = tpu.vector_load_idx %arg9[%add3A_155, %and3A_241] : memref<128x128xf32, #tpu.memory_space<vmem>>[vector<16xi32>, vector<16xi32>], vector<16xf32>,
        %sub3A_246 = arith.subf %gather3A_244, %gather3A_245 : vector<16xf32>
        %mul3A_247 = arith.mulf %sub3A_246, %sub3A_246 : vector<16xf32>
        %add3A_248 = arith.addf %add3A_235, %mul3A_247 : vector<16xf32>
        %add3A_249 = arith.constant 1 : i32
        %add3A_250 = vector.broadcast %add3A_249 : i32 to vector<16xi32>
        %add3A_251 = arith.addi %and3A_241, %add3A_250 : vector<16xi32>
        %and3A_252 = arith.constant 127 : i32
        %and3A_253 = vector.broadcast %and3A_252 : i32 to vector<16xi32>
        %and3A_254 = arith.andi %add3A_251, %and3A_253 : vector<16xi32>
        %scan3A_255 = arith.constant 3 : i32
        %scan3A_256 = arith.addi %scan3A_216, %scan3A_255 : i32
        %gather3A_257 = tpu.vector_load_idx %arg8[%add3A_155, %and3A_254] : memref<128x128xf32, #tpu.memory_space<vmem>>[vector<16xi32>, vector<16xi32>], vector<16xf32>,
        %gather3A_258 = tpu.vector_load_idx %arg9[%add3A_155, %and3A_254] : memref<128x128xf32, #tpu.memory_space<vmem>>[vector<16xi32>, vector<16xi32>], vector<16xf32>,
        %sub3A_259 = arith.subf %gather3A_257, %gather3A_258 : vector<16xf32>
        %mul3A_260 = arith.mulf %sub3A_259, %sub3A_259 : vector<16xf32>
        %add3A_261 = arith.addf %add3A_248, %mul3A_260 : vector<16xf32>
        %add3A_262 = arith.constant 1 : i32
        %add3A_263 = vector.broadcast %add3A_262 : i32 to vector<16xi32>
        %add3A_264 = arith.addi %and3A_254, %add3A_263 : vector<16xi32>
        %and3A_265 = arith.constant 127 : i32
        %and3A_266 = vector.broadcast %and3A_265 : i32 to vector<16xi32>
        %and3A_267 = arith.andi %add3A_264, %and3A_266 : vector<16xi32>
        %scan3A_268 = arith.constant 4 : i32
        %scan3A_269 = arith.addi %scan3A_216, %scan3A_268 : i32
        %gather3A_270 = tpu.vector_load_idx %arg8[%add3A_155, %and3A_267] : memref<128x128xf32, #tpu.memory_space<vmem>>[vector<16xi32>, vector<16xi32>], vector<16xf32>,
        %gather3A_271 = tpu.vector_load_idx %arg9[%add3A_155, %and3A_267] : memref<128x128xf32, #tpu.memory_space<vmem>>[vector<16xi32>, vector<16xi32>], vector<16xf32>,
        %sub3A_272 = arith.subf %gather3A_270, %gather3A_271 : vector<16xf32>
        %mul3A_273 = arith.mulf %sub3A_272, %sub3A_272 : vector<16xf32>
        %add3A_274 = arith.addf %add3A_261, %mul3A_273 : vector<16xf32>
        %add3A_275 = arith.constant 1 : i32
        %add3A_276 = vector.broadcast %add3A_275 : i32 to vector<16xi32>
        %add3A_277 = arith.addi %and3A_267, %add3A_276 : vector<16xi32>
        %and3A_278 = arith.constant 127 : i32
        %and3A_279 = vector.broadcast %and3A_278 : i32 to vector<16xi32>
        %and3A_280 = arith.andi %add3A_277, %and3A_279 : vector<16xi32>
        %scan3A_281 = arith.constant 5 : i32
        %scan3A_282 = arith.addi %scan3A_216, %scan3A_281 : i32
        %gather3A_283 = tpu.vector_load_idx %arg8[%add3A_155, %and3A_280] : memref<128x128xf32, #tpu.memory_space<vmem>>[vector<16xi32>, vector<16xi32>], vector<16xf32>,
        %gather3A_284 = tpu.vector_load_idx %arg9[%add3A_155, %and3A_280] : memref<128x128xf32, #tpu.memory_space<vmem>>[vector<16xi32>, vector<16xi32>], vector<16xf32>,
        %sub3A_285 = arith.subf %gather3A_283, %gather3A_284 : vector<16xf32>
        %mul3A_286 = arith.mulf %sub3A_285, %sub3A_285 : vector<16xf32>
        %add3A_287 = arith.addf %add3A_274, %mul3A_286 : vector<16xf32>
        %add3A_288 = arith.constant 1 : i32
        %add3A_289 = vector.broadcast %add3A_288 : i32 to vector<16xi32>
        %add3A_290 = arith.addi %and3A_280, %add3A_289 : vector<16xi32>
        %and3A_291 = arith.constant 127 : i32
        %and3A_292 = vector.broadcast %and3A_291 : i32 to vector<16xi32>
        %and3A_293 = arith.andi %add3A_290, %and3A_292 : vector<16xi32>
        %scan3A_294 = arith.constant 6 : i32
        %scan3A_295 = arith.addi %scan3A_216, %scan3A_294 : i32
        %gather3A_296 = tpu.vector_load_idx %arg8[%add3A_155, %and3A_293] : memref<128x128xf32, #tpu.memory_space<vmem>>[vector<16xi32>, vector<16xi32>], vector<16xf32>,
        %gather3A_297 = tpu.vector_load_idx %arg9[%add3A_155, %and3A_293] : memref<128x128xf32, #tpu.memory_space<vmem>>[vector<16xi32>, vector<16xi32>], vector<16xf32>,
        %sub3A_298 = arith.subf %gather3A_296, %gather3A_297 : vector<16xf32>
        %mul3A_299 = arith.mulf %sub3A_298, %sub3A_298 : vector<16xf32>
        %add3A_300 = arith.addf %add3A_287, %mul3A_299 : vector<16xf32>
        %add3A_301 = arith.constant 1 : i32
        %add3A_302 = vector.broadcast %add3A_301 : i32 to vector<16xi32>
        %add3A_303 = arith.addi %and3A_293, %add3A_302 : vector<16xi32>
        %and3A_304 = arith.constant 127 : i32
        %and3A_305 = vector.broadcast %and3A_304 : i32 to vector<16xi32>
        %and3A_306 = arith.andi %add3A_303, %and3A_305 : vector<16xi32>
        %scan3A_307 = arith.constant 7 : i32
        %scan3A_308 = arith.addi %scan3A_216, %scan3A_307 : i32
        %gather3A_309 = tpu.vector_load_idx %arg8[%add3A_155, %and3A_306] : memref<128x128xf32, #tpu.memory_space<vmem>>[vector<16xi32>, vector<16xi32>], vector<16xf32>,
        %gather3A_310 = tpu.vector_load_idx %arg9[%add3A_155, %and3A_306] : memref<128x128xf32, #tpu.memory_space<vmem>>[vector<16xi32>, vector<16xi32>], vector<16xf32>,
        %sub3A_311 = arith.subf %gather3A_309, %gather3A_310 : vector<16xf32>
        %mul3A_312 = arith.mulf %sub3A_311, %sub3A_311 : vector<16xf32>
        %add3A_313 = arith.addf %add3A_300, %mul3A_312 : vector<16xf32>
        %add3A_314 = arith.constant 1 : i32
        %add3A_315 = vector.broadcast %add3A_314 : i32 to vector<16xi32>
        %add3A_316 = arith.addi %and3A_306, %add3A_315 : vector<16xi32>
        %and3A_317 = arith.constant 127 : i32
        %and3A_318 = vector.broadcast %and3A_317 : i32 to vector<16xi32>
        %and3A_319 = arith.andi %add3A_316, %and3A_318 : vector<16xi32>
        %scan3A_320 = arith.constant 8 : i32
        %scan3A_321 = arith.addi %scan3A_216, %scan3A_320 : i32
        %gather3A_322 = tpu.vector_load_idx %arg8[%add3A_155, %and3A_319] : memref<128x128xf32, #tpu.memory_space<vmem>>[vector<16xi32>, vector<16xi32>], vector<16xf32>,
        %gather3A_323 = tpu.vector_load_idx %arg9[%add3A_155, %and3A_319] : memref<128x128xf32, #tpu.memory_space<vmem>>[vector<16xi32>, vector<16xi32>], vector<16xf32>,
        %sub3A_324 = arith.subf %gather3A_322, %gather3A_323 : vector<16xf32>
        %mul3A_325 = arith.mulf %sub3A_324, %sub3A_324 : vector<16xf32>
        %add3A_326 = arith.addf %add3A_313, %mul3A_325 : vector<16xf32>
        %add3A_327 = arith.constant 1 : i32
        %add3A_328 = vector.broadcast %add3A_327 : i32 to vector<16xi32>
        %add3A_329 = arith.addi %and3A_319, %add3A_328 : vector<16xi32>
        %and3A_330 = arith.constant 127 : i32
        %and3A_331 = vector.broadcast %and3A_330 : i32 to vector<16xi32>
        %and3A_332 = arith.andi %add3A_329, %and3A_331 : vector<16xi32>
        %scan3A_333 = arith.constant 9 : i32
        %scan3A_334 = arith.addi %scan3A_216, %scan3A_333 : i32
        %gather3A_335 = tpu.vector_load_idx %arg8[%add3A_155, %and3A_332] : memref<128x128xf32, #tpu.memory_space<vmem>>[vector<16xi32>, vector<16xi32>], vector<16xf32>,
        %gather3A_336 = tpu.vector_load_idx %arg9[%add3A_155, %and3A_332] : memref<128x128xf32, #tpu.memory_space<vmem>>[vector<16xi32>, vector<16xi32>], vector<16xf32>,
        %sub3A_337 = arith.subf %gather3A_335, %gather3A_336 : vector<16xf32>
        %mul3A_338 = arith.mulf %sub3A_337, %sub3A_337 : vector<16xf32>
        %add3A_339 = arith.addf %add3A_326, %mul3A_338 : vector<16xf32>
        %add3A_340 = arith.constant 1 : i32
        %add3A_341 = vector.broadcast %add3A_340 : i32 to vector<16xi32>
        %add3A_342 = arith.addi %and3A_332, %add3A_341 : vector<16xi32>
        %and3A_343 = arith.constant 127 : i32
        %and3A_344 = vector.broadcast %and3A_343 : i32 to vector<16xi32>
        %and3A_345 = arith.andi %add3A_342, %and3A_344 : vector<16xi32>
        %scan3A_346 = arith.constant 10 : i32
        %scan3A_347 = arith.addi %scan3A_216, %scan3A_346 : i32
        %gather3A_348 = tpu.vector_load_idx %arg8[%add3A_155, %and3A_345] : memref<128x128xf32, #tpu.memory_space<vmem>>[vector<16xi32>, vector<16xi32>], vector<16xf32>,
        %gather3A_349 = tpu.vector_load_idx %arg9[%add3A_155, %and3A_345] : memref<128x128xf32, #tpu.memory_space<vmem>>[vector<16xi32>, vector<16xi32>], vector<16xf32>,
        %sub3A_350 = arith.subf %gather3A_348, %gather3A_349 : vector<16xf32>
        %mul3A_351 = arith.mulf %sub3A_350, %sub3A_350 : vector<16xf32>
        %add3A_352 = arith.addf %add3A_339, %mul3A_351 : vector<16xf32>
        %add3A_353 = arith.constant 1 : i32
        %add3A_354 = vector.broadcast %add3A_353 : i32 to vector<16xi32>
        %add3A_355 = arith.addi %and3A_345, %add3A_354 : vector<16xi32>
        %and3A_356 = arith.constant 127 : i32
        %and3A_357 = vector.broadcast %and3A_356 : i32 to vector<16xi32>
        %and3A_358 = arith.andi %add3A_355, %and3A_357 : vector<16xi32>
        %scan3A_359 = arith.constant 11 : i32
        %scan3A_360 = arith.addi %scan3A_216, %scan3A_359 : i32
        %gather3A_361 = tpu.vector_load_idx %arg8[%add3A_155, %and3A_358] : memref<128x128xf32, #tpu.memory_space<vmem>>[vector<16xi32>, vector<16xi32>], vector<16xf32>,
        %gather3A_362 = tpu.vector_load_idx %arg9[%add3A_155, %and3A_358] : memref<128x128xf32, #tpu.memory_space<vmem>>[vector<16xi32>, vector<16xi32>], vector<16xf32>,
        %sub3A_363 = arith.subf %gather3A_361, %gather3A_362 : vector<16xf32>
        %mul3A_364 = arith.mulf %sub3A_363, %sub3A_363 : vector<16xf32>
        %add3A_365 = arith.addf %add3A_352, %mul3A_364 : vector<16xf32>
        %add3A_366 = arith.constant 1 : i32
        %add3A_367 = vector.broadcast %add3A_366 : i32 to vector<16xi32>
        %add3A_368 = arith.addi %and3A_358, %add3A_367 : vector<16xi32>
        %and3A_369 = arith.constant 127 : i32
        %and3A_370 = vector.broadcast %and3A_369 : i32 to vector<16xi32>
        %and3A_371 = arith.andi %add3A_368, %and3A_370 : vector<16xi32>
        %scan3A_372 = arith.constant 12 : i32
        %scan3A_373 = arith.addi %scan3A_216, %scan3A_372 : i32
        %gather3A_374 = tpu.vector_load_idx %arg8[%add3A_155, %and3A_371] : memref<128x128xf32, #tpu.memory_space<vmem>>[vector<16xi32>, vector<16xi32>], vector<16xf32>,
        %gather3A_375 = tpu.vector_load_idx %arg9[%add3A_155, %and3A_371] : memref<128x128xf32, #tpu.memory_space<vmem>>[vector<16xi32>, vector<16xi32>], vector<16xf32>,
        %sub3A_376 = arith.subf %gather3A_374, %gather3A_375 : vector<16xf32>
        %mul3A_377 = arith.mulf %sub3A_376, %sub3A_376 : vector<16xf32>
        %add3A_378 = arith.addf %add3A_365, %mul3A_377 : vector<16xf32>
        %add3A_379 = arith.constant 1 : i32
        %add3A_380 = vector.broadcast %add3A_379 : i32 to vector<16xi32>
        %add3A_381 = arith.addi %and3A_371, %add3A_380 : vector<16xi32>
        %and3A_382 = arith.constant 127 : i32
        %and3A_383 = vector.broadcast %and3A_382 : i32 to vector<16xi32>
        %and3A_384 = arith.andi %add3A_381, %and3A_383 : vector<16xi32>
        %scan3A_385 = arith.constant 13 : i32
        %scan3A_386 = arith.addi %scan3A_216, %scan3A_385 : i32
        %gather3A_387 = tpu.vector_load_idx %arg8[%add3A_155, %and3A_384] : memref<128x128xf32, #tpu.memory_space<vmem>>[vector<16xi32>, vector<16xi32>], vector<16xf32>,
        %gather3A_388 = tpu.vector_load_idx %arg9[%add3A_155, %and3A_384] : memref<128x128xf32, #tpu.memory_space<vmem>>[vector<16xi32>, vector<16xi32>], vector<16xf32>,
        %sub3A_389 = arith.subf %gather3A_387, %gather3A_388 : vector<16xf32>
        %mul3A_390 = arith.mulf %sub3A_389, %sub3A_389 : vector<16xf32>
        %add3A_391 = arith.addf %add3A_378, %mul3A_390 : vector<16xf32>
        %add3A_392 = arith.constant 1 : i32
        %add3A_393 = vector.broadcast %add3A_392 : i32 to vector<16xi32>
        %add3A_394 = arith.addi %and3A_384, %add3A_393 : vector<16xi32>
        %and3A_395 = arith.constant 127 : i32
        %and3A_396 = vector.broadcast %and3A_395 : i32 to vector<16xi32>
        %and3A_397 = arith.andi %add3A_394, %and3A_396 : vector<16xi32>
        %scan3A_398 = arith.constant 14 : i32
        %scan3A_399 = arith.addi %scan3A_216, %scan3A_398 : i32
        %gather3A_400 = tpu.vector_load_idx %arg8[%add3A_155, %and3A_397] : memref<128x128xf32, #tpu.memory_space<vmem>>[vector<16xi32>, vector<16xi32>], vector<16xf32>,
        %gather3A_401 = tpu.vector_load_idx %arg9[%add3A_155, %and3A_397] : memref<128x128xf32, #tpu.memory_space<vmem>>[vector<16xi32>, vector<16xi32>], vector<16xf32>,
        %sub3A_402 = arith.subf %gather3A_400, %gather3A_401 : vector<16xf32>
        %mul3A_403 = arith.mulf %sub3A_402, %sub3A_402 : vector<16xf32>
        %add3A_404 = arith.addf %add3A_391, %mul3A_403 : vector<16xf32>
        %add3A_405 = arith.constant 1 : i32
        %add3A_406 = vector.broadcast %add3A_405 : i32 to vector<16xi32>
        %add3A_407 = arith.addi %and3A_397, %add3A_406 : vector<16xi32>
        %and3A_408 = arith.constant 127 : i32
        %and3A_409 = vector.broadcast %and3A_408 : i32 to vector<16xi32>
        %and3A_410 = arith.andi %add3A_407, %and3A_409 : vector<16xi32>
        %scan3A_411 = arith.constant 15 : i32
        %scan3A_412 = arith.addi %scan3A_216, %scan3A_411 : i32
        %gather3A_413 = tpu.vector_load_idx %arg8[%add3A_155, %and3A_410] : memref<128x128xf32, #tpu.memory_space<vmem>>[vector<16xi32>, vector<16xi32>], vector<16xf32>,
        %gather3A_414 = tpu.vector_load_idx %arg9[%add3A_155, %and3A_410] : memref<128x128xf32, #tpu.memory_space<vmem>>[vector<16xi32>, vector<16xi32>], vector<16xf32>,
        %sub3A_415 = arith.subf %gather3A_413, %gather3A_414 : vector<16xf32>
        %mul3A_416 = arith.mulf %sub3A_415, %sub3A_415 : vector<16xf32>
        %add3A_417 = arith.addf %add3A_404, %mul3A_416 : vector<16xf32>
        %add3A_418 = arith.constant 1 : i32
        %add3A_419 = vector.broadcast %add3A_418 : i32 to vector<16xi32>
        %add3A_420 = arith.addi %and3A_410, %add3A_419 : vector<16xi32>
        %and3A_421 = arith.constant 127 : i32
        %and3A_422 = vector.broadcast %and3A_421 : i32 to vector<16xi32>
        %and3A_423 = arith.andi %add3A_420, %and3A_422 : vector<16xi32>
        scf.yield %add3A_417, %and3A_423 : vector<16xf32>, vector<16xi32>
      }
      %scan3A_163 = arith.constant 128 : i32
      %add3A_164 = arith.constant 9.99999996E-13 : f32
      %add3A_165 = vector.broadcast %add3A_164 : f32 to vector<16xf32>
      %add3A_166 = arith.addf %scan3A_162#0, %add3A_165 : vector<16xf32>
      %bitcast3A = vector.bitcast %add3A_166 : vector<16xf32> to vector<16xi32>
      %shift_right_arithmetic3A = arith.constant 1 : i32
      %shift_right_arithmetic3A_167 = vector.broadcast %shift_right_arithmetic3A : i32 to vector<16xi32>
      %shift_right_arithmetic3A_168 = arith.shrsi %bitcast3A, %shift_right_arithmetic3A_167 : vector<16xi32>
      %sub3A = arith.constant 1597463007 : i32
      %sub3A_169 = vector.broadcast %sub3A : i32 to vector<16xi32>
      %sub3A_170 = arith.subi %sub3A_169, %shift_right_arithmetic3A_168 : vector<16xi32>
      %bitcast3A_171 = vector.bitcast %sub3A_170 : vector<16xi32> to vector<16xf32>
      %mul3A_172 = arith.constant 5.000000e-01 : f32
      %mul3A_173 = vector.broadcast %mul3A_172 : f32 to vector<16xf32>
      %mul3A_174 = arith.mulf %mul3A_173, %add3A_166 : vector<16xf32>
      %mul3A_175 = arith.mulf %mul3A_174, %bitcast3A_171 : vector<16xf32>
      %mul3A_176 = arith.mulf %mul3A_175, %bitcast3A_171 : vector<16xf32>
      %sub3A_177 = arith.constant 1.500000e+00 : f32
      %sub3A_178 = vector.broadcast %sub3A_177 : f32 to vector<16xf32>
      %sub3A_179 = arith.subf %sub3A_178, %mul3A_176 : vector<16xf32>
      %mul3A_180 = arith.mulf %bitcast3A_171, %sub3A_179 : vector<16xf32>
      %mul3A_181 = arith.constant 5.000000e-01 : f32
      %mul3A_182 = vector.broadcast %mul3A_181 : f32 to vector<16xf32>
      %mul3A_183 = arith.mulf %mul3A_182, %add3A_166 : vector<16xf32>
      %mul3A_184 = arith.mulf %mul3A_183, %mul3A_180 : vector<16xf32>
      %mul3A_185 = arith.mulf %mul3A_184, %mul3A_180 : vector<16xf32>
      %sub3A_186 = arith.constant 1.500000e+00 : f32
      %sub3A_187 = vector.broadcast %sub3A_186 : f32 to vector<16xf32>
      %sub3A_188 = arith.subf %sub3A_187, %mul3A_185 : vector<16xf32>
      %mul3A_189 = arith.mulf %mul3A_180, %sub3A_188 : vector<16xf32>
      %mul3A_190 = arith.constant 5.000000e-01 : f32
      %mul3A_191 = vector.broadcast %mul3A_190 : f32 to vector<16xf32>
      %mul3A_192 = arith.mulf %mul3A_191, %add3A_166 : vector<16xf32>
      %mul3A_193 = arith.mulf %mul3A_192, %mul3A_189 : vector<16xf32>
      %mul3A_194 = arith.mulf %mul3A_193, %mul3A_189 : vector<16xf32>
      %sub3A_195 = arith.constant 1.500000e+00 : f32
      %sub3A_196 = vector.broadcast %sub3A_195 : f32 to vector<16xf32>
      %sub3A_197 = arith.subf %sub3A_196, %mul3A_194 : vector<16xf32>
      %mul3A_198 = arith.mulf %mul3A_189, %sub3A_197 : vector<16xf32>
      %mul3A_199 = arith.mulf %add3A_166, %mul3A_198 : vector<16xf32>
      %sub3A_200 = arith.constant 4.000000e+00 : f32
      %sub3A_201 = vector.broadcast %sub3A_200 : f32 to vector<16xf32>
      %sub3A_202 = arith.subf %mul3A_199, %sub3A_201 : vector<16xf32>
      %exp3A = math.exp %sub3A_202 : vector<16xf32>
      %add3A_203 = arith.constant 1.000000e+00 : f32
      %add3A_204 = vector.broadcast %add3A_203 : f32 to vector<16xf32>
      %add3A_205 = arith.addf %add3A_204, %exp3A : vector<16xf32>
      %div3A = arith.constant 9.800000e-01 : f32
      %div3A_206 = vector.broadcast %div3A : f32 to vector<16xf32>
      %div3A_207 = arith.divf %div3A_206, %add3A_205 : vector<16xf32>
      %add3A_208 = arith.constant 0.00999999977 : f32
      %add3A_209 = vector.broadcast %add3A_208 : f32 to vector<16xf32>
      %add3A_210 = arith.addf %add3A_209, %div3A_207 : vector<16xf32>
      %mul3A_211 = arith.constant 16 : i32
      %mul3A_212 = arith.muli %scan3A_150, %mul3A_211 : i32
      %swap3A_213 = arith.index_cast %mul3A_212 : i32 to index
      %swap3A_214 = tpu.vector_load %arg10[%swap3A_213] {strides = array<i32>} : memref<128xf32, #tpu.memory_space<vmem>>, vector<16xf32>,
      tpu.vector_store %arg10[%swap3A_213], %add3A_210 {strides = array<i32>} : memref<128xf32, #tpu.memory_space<vmem>>, vector<16xf32>,
      %scan3A_215 = arith.constant 0 : i32
      scf.yield %scan3A_215 : i32
    }
    %scan3A_149 = arith.constant 8 : i32
    "tpu.region"() ({
      %run_scoped3A = tpu.sem_alloc : memref<!tpu.dma_semaphore, #tpu.memory_space<semaphore_mem>>
      %dma_start3A_150 = tpu.memref_slice %arg4[%mul3A_2] : memref<4096xf32, #tpu.memory_space<hbm>> -> memref<128xf32, #tpu.memory_space<hbm>>
      %dma_start3A_151 = tpu.memref_slice %arg4[%mul3A_2] : memref<4096xf32, #tpu.memory_space<hbm>> -> memref<128xf32, #tpu.memory_space<hbm>>
      tpu.enqueue_dma source(%arg10 : memref<128xf32, #tpu.memory_space<vmem>>) target(%dma_start3A_151 : memref<128xf32, #tpu.memory_space<hbm>>) target_semaphore(%run_scoped3A : memref<!tpu.dma_semaphore, #tpu.memory_space<semaphore_mem>>)
      %dma_wait3A_152 = tpu.memref_slice %arg4[%mul3A_2] : memref<4096xf32, #tpu.memory_space<hbm>> -> memref<128xf32, #tpu.memory_space<hbm>>
      %dma_wait3A_153 = tpu.memref_slice %arg4[%mul3A_2] : memref<4096xf32, #tpu.memory_space<hbm>> -> memref<128xf32, #tpu.memory_space<hbm>>
      tpu.wait_dma2 semaphore(%run_scoped3A : memref<!tpu.dma_semaphore, #tpu.memory_space<semaphore_mem>>) src(%arg10 : memref<128xf32, #tpu.memory_space<vmem>>) dst(%dma_wait3A_153 : memref<128xf32, #tpu.memory_space<hbm>>)
      tpu.yield
    }) : () -> ()
    return
  }
}

</mosaic_0001>

<sc_bundles>
// kernel: kernel.3.cloned.1.call-start
scs
__scs_entry_jumppad:
0x0: {  	(pc) =	sbr.rel $0x88, $3  }
0x1: {  	(tag) =	ssettag $0x0;
	lr =	simm.s32 $0x1  }
0x2: {  	[smem:$0x3F9F] =	sst lr;
	_ =	strace $0xD0000000  }
0x3: {  	_ = 	snop  }
0x4: {  	_ = 	snop  }
0x5: {  	_ = 	snop  }
0x6: {  	_ = 	snop  }
0x7: {  	_ = 	snop  }
__scs_overlays_trampoline_lowered:
0x8: {  	[smem:$0x3FAE] =	sst s0  }
0x9: {  	[smem:$0x3FAF] =	sst s1  }
0xa: {  	[smem:$0x3FB0] =	sst s2  }
0xb: {  	[smem:$0x3FB1] =	sst s3  }
0xc: {  	[smem:$0x3FB2] =	sst s4  }
0xd: {  	[smem:$0x3FB3] =	sst s5  }
0xe: {  	[smem:$0x3FB4] =	sst s6  }
0xf: {  	[smem:$0x3FB5] =	sst s7  }
0x10: {  	[smem:$0x3FB6] =	sst s8  }
0x11: {  	[smem:$0x3FB7] =	sst s9;
	s0 =	simm.s32 @!p0 $0x0  }
0x12: {  	s1 =	sld [smem:$0x3F9D];
	s0 =	simm.s32 @p0 $0x1  }
0x13: {  	[smem:$0x3FB8] =	sst s0;
	s0 =	simm.s32 @!p1 $0x0  }
0x14: {  	s2 =	sld [smem:$0x3F9C];
	s0 =	simm.s32 @p1 $0x1  }
0x15: {  	[smem:$0x3FB9] =	sst s0;
	s0 =	simm.s32 @!p2 $0x0  }
0x16: {  	s3 =	sld [smem:$0x3FDB];
	s0 =	simm.s32 @p2 $0x1  }
0x17: {  	s4 =	simm.s32 $0x1BF5;
	[smem:$0x3FBB] =	sst s0  }
0x18: {  	s0 =	sld [smem:$0x3F9E];
	_ =	swait.ge [sflag:s4], $0x0  }
0x19: {  	s7 =	sld [smem:$0x3F9F]  }
0x1a: {  	s8 =	sadd.s32 $0xFFFFE003, lr  }
0x1b: {  	s9 =	sadd.s32 $0xFFFFFEF7, lr;
	s5 =	simm.s32 $0xFFFFFFFF;
	p2 =	slt.u32 s8, $0xFFFFF086  }
0x1c: {  	p1 =	slt.u32 s9, $0xF7A;
	s5 =	simm.s32 @!p2 $0x0  }
0x1d: {  	s5 =	simm.s32 @p1 $0x1;
	p0 =	seq.s32 s7, s2  }
0x1e: {  	s7 =	smul.u32 @!p0 $0xF7A, s2;
	p2 =	seq.s32 @!p0 s5, $0x0  }
0x1f: {  	s9 =	smul.u32 $0xF7A, s1;
	s8 =	simm.s32 @!p0 $0x1BF5;
	p2 =	por !p2, p0  }
0x20: {  	[sflag:s8] =	ssyncset.s32 @!p0 $0xFFFFF086;
	s6 =	sadd.s32 @!p0 s3, s7;
	s7 =	simm.s32 @!p0 $0x108  }
0x21: {  	s3 =	sadd.s32 s3, s9;
	s6 =	sadd.s32 @!p0 $0x88, s6;
	s7 =	simm.s32 @p2 $0x1082  }
0x22: {  	[simem:s7], [sflag:s8] =	dma.local @!p0 [hbm:s6], $0xF7A  }
0x23: {  	s9 =	sor.u32 $0xD0000000, s2;
	s6 =	simm.s32 $0x108;
	_ =	swait.ge @!p0 [sflag:s8], $0x0  }
0x24: {  	s3 =	sadd.s32 $0x88, s3;
	s6 =	simm.s32 @!p1 $0x1082;
	[sflag:s4] =	ssyncset.s32 $0xFFFFF086  }
0x25: {  	[simem:s6], [sflag:s4] =	dma.local [hbm:s3], $0xF7A  }
0x26: {  	[smem:$0x3F9F] =	sst s1;
	(tag) =	ssettag s2;
	_ =	strace s9  }
0x27: {  	s1 =	sld [smem:$0x3FAF]  }
0x28: {  	s2 =	sld [smem:$0x3FB0]  }
0x29: {  	s4 =	sld [smem:$0x3FB2]  }
0x2a: {  	p0 =	seq.s32 s5, $0x0;
	s5 =	sld [smem:$0x3FB3]  }
0x2b: {  	s6 =	sld [smem:$0x3FB4]  }
0x2c: {  	s7 =	sld [smem:$0x3FB5]  }
0x2d: {  	s3 =	simm.s32 $0x108;
	s8 =	sld [smem:$0x3FB6]  }
0x2e: {  	s3 =	simm.s32 @!p0 $0x1082;
	s9 =	sld [smem:$0x3FB7]  }
0x2f: {  	lr =	sadd.s32 s0, s3;
	s0 =	sld [smem:$0x3FAE]  }
0x30: {  	s3 =	sld [smem:$0x3FB1]  }
0x31: {  	[smem:$0x3FBA] =	sst s10  }
0x32: {  	s10 =	sld [smem:$0x3FB8];
	_ =	sdelay $0x3  }
0x33: {  	p0 =	seq.s32 s10, $0x1;
	s10 =	sld [smem:$0x3FBA];
	_ =	sdelay $0x3  }
0x34: {  	[smem:$0x3FBA] =	sst s10  }
0x35: {  	s10 =	sld [smem:$0x3FB9];
	_ =	sdelay $0x3  }
0x36: {  	p1 =	seq.s32 s10, $0x1;
	s10 =	sld [smem:$0x3FBA];
	_ =	sdelay $0x3  }
0x37: {  	[smem:$0x3FBA] =	sst s10  }
0x38: {  	s10 =	sld [smem:$0x3FBB]  }
0x39: {  	_ = 	snop;
	(pc) =	sbr.ind lr, $3  }
0x3a: {  	_ = 	snop  }
0x3b: {  	_ = 	snop  }
0x3c: {  	p2 =	seq.s32 s10, $0x1;
	s10 =	sld [smem:$0x3FBA]  }
0x3d: {  	_ =	shalt  }
0x3e: {  	_ =	shalt  }
0x3f: {  	_ =	shalt  }
0x40: {  	_ =	shalt  }
0x41: {  	_ =	shalt  }
0x42: {  	_ =	shalt  }
0x43: {  	_ =	shalt  }
0x44: {  	_ =	shalt  }
0x45: {  	_ =	shalt  }
0x46: {  	_ =	shalt  }
0x47: {  	_ =	shalt  }
0x48: {  	_ =	shalt  }
0x49: {  	_ =	shalt  }
0x4a: {  	_ =	shalt  }
0x4b: {  	_ =	shalt  }
0x4c: {  	_ =	shalt  }
0x4d: {  	_ =	shalt  }
0x4e: {  	_ =	shalt  }
0x4f: {  	_ =	shalt  }
0x50: {  	_ =	shalt  }
0x51: {  	_ =	shalt  }
0x52: {  	_ =	shalt  }
0x53: {  	_ =	shalt  }
0x54: {  	_ =	shalt  }
0x55: {  	_ =	shalt  }
0x56: {  	_ =	shalt  }
0x57: {  	_ =	shalt  }
0x58: {  	_ =	shalt  }
0x59: {  	_ =	shalt  }
0x5a: {  	_ =	shalt  }
0x5b: {  	_ =	shalt  }
0x5c: {  	_ =	shalt  }
0x5d: {  	_ =	shalt  }
0x5e: {  	_ =	shalt  }
0x5f: {  	_ =	shalt  }
0x60: {  	_ =	shalt  }
0x61: {  	_ =	shalt  }
0x62: {  	_ =	shalt  }
0x63: {  	_ =	shalt  }
0x64: {  	_ =	shalt  }
0x65: {  	_ =	shalt  }
0x66: {  	_ =	shalt  }
0x67: {  	_ =	shalt  }
0x68: {  	_ =	shalt  }
0x69: {  	_ =	shalt  }
0x6a: {  	_ =	shalt  }
0x6b: {  	_ =	shalt  }
0x6c: {  	_ =	shalt  }
0x6d: {  	_ =	shalt  }
0x6e: {  	_ =	shalt  }
0x6f: {  	_ =	shalt  }
0x70: {  	_ =	shalt  }
0x71: {  	_ =	shalt  }
0x72: {  	_ =	shalt  }
0x73: {  	_ =	shalt  }
0x74: {  	_ =	shalt  }
0x75: {  	_ =	shalt  }
0x76: {  	_ =	shalt  }
0x77: {  	_ =	shalt  }
0x78: {  	_ =	shalt  }
0x79: {  	_ =	shalt  }
0x7a: {  	_ =	shalt  }
0x7b: {  	_ =	shalt  }
0x7c: {  	_ =	shalt  }
0x7d: {  	_ =	shalt  }
0x7e: {  	_ =	shalt  }
0x7f: {  	_ =	shalt  }
0x80: {  	_ =	shalt  }
0x81: {  	_ =	shalt  }
0x82: {  	_ =	shalt  }
0x83: {  	_ =	shalt  }
0x84: {  	_ =	shalt  }
0x85: {  	_ =	shalt  }
0x86: {  	_ =	shalt  }
0x87: {  	_ =	shalt  }
.Lfunc_end0:
.L_simem_size_0:
called_computation_lowered:
.L_overlay_start_0:
0x88: {  	s2 =	sld [smem:$0x3FD9]  }
0x89: {  	s3 =	sld [smem:$0x3FFE];
	_ =	sdelay $0x1  }
0x8a: {  	s1 =	srdreg.scid  }
0x8b: {  	s0 =	sand.u32 $0x1, s1  }
0x8c: {  	s18 =	sshll.u32 s0, $0xA;
	s2 =	sadd.s32 s3, s2  }
0x8d: {  	s2 =	sadd.s32 s2, s18  }
0x8e: {  	[smem:$0x3FC6] =	sst s2  }
0x8f: {  	_ = 	snop  }
0x90: {  	s2 =	sld [smem:$0x3FC9]  }
0x91: {  	s19 =	sld [smem:$0x3FC8]  }
0x92: {  	s4 =	sld [smem:$0x3FD0];
	(tm) =	ssettm $0x1  }
0x93: {  	s5 =	sld [smem:$0x3FFB];
	_ =	sdelay $0x3  }
0x94: {  	_ =	strace s5  }
0x95: {  	s5 =	sld [smem:$0x3FFC];
	_ =	sdelay $0x3  }
0x96: {  	_ =	strace s5  }
0x97: {  	s5 =	sld [smem:$0x3FFD];
	_ =	sdelay $0x3  }
0x98: {  	_ =	strace s5  }
0x99: {  	_ =	strace $0x8FFFFFFF  }
0x9a: {  	s20 =	sld [smem:$0x3FDB];
	_ =	sdelay $0x1  }
0x9b: {  	s6 =	simm.s32 $_scs_section_size  }
0x9c: {  	s7 =	simm.s32 $_size__tile_overlayer_lowered;
	s8 =	simm.s32 $_tile_overlayer_lowered  }
0x9d: {  	s23 =	simm.s32 $0x1BFF;
	s22 =	sshll.u32 s8, $0x1;
	s5 =	sadd.s32 s6, s20  }
0x9e: {  	s9 =	simm.s32 $0x0;
	s21 =	sshll.u32 s7, $0x1;
	s7 =	sadd.s32 s22, s5  }
0x9f: {  	[timem:s9], [sflag:s23] =	dma.local [hbm:s7], s21  }
0xa0: {  	_ =	swait.ge [sflag:s23], s21  }
0xa1: {  	s6 =	ssub.s32 $0x0, s21;
	[sflag:s23] =	ssyncset.done $0x0  }
0xa2: {  	[sflag:s23] =	ssyncadd.s32 s6;
	_ =	sdelay $0x1  }
0xa3: {  	s24 =	simm.s32 $0x1B8B  }
0xa4: {  	_ =	swait.ge [sflag:s24], $0x1  }
0xa5: {  	[sflag:s24] =	ssyncset.done $0x0  }
0xa6: {  	s25 =	simm.s32 $0x1B8E;
	[sflag:s24] =	ssyncadd.s32 $0xFFFFFFFF  }
0xa7: {  	s26 =	simm.s32 $execute0_lowered;
	[smem:$0x3FD2] =	sst s25  }
0xa8: {  	s6 =	sshll.u32 s26, $0x1;
	_ =	strace $0x80000046;
	[dreg:$0x1] =	wrdreg $0xFFFFFFFF  }
0xa9: {  	s28 =	simm.s32 $_size_execute0_lowered;
	s5 =	sadd.s32 s5, s6;
	[dreg:$0x0] =	wrdreg $0x0  }
0xaa: {  	s6 =	sshll.u32 s28, $0x1;
	[dreg:$0x2] =	wrdreg s5  }
0xab: {  	[dreg:$0x3] =	wrdreg s6  }
0xac: {  	[dreg:$0x4] =	wrdreg $0xC0  }
0xad: {  	_ =	task [dreg:s9], $0x5FFFF  }
0xae: {  	[dreg:$0x1] =	wrdreg $0xFFFFFFFF  }
0xaf: {  	[dreg:$0x0] =	wrdreg $0x60  }
0xb0: {  	[dreg:$0x2] =	wrdreg s2  }
0xb1: {  	[dreg:$0x3] =	wrdreg s19  }
0xb2: {  	[dreg:$0x4] =	wrdreg s4  }
0xb3: {  	[dreg:$0x5] =	wrdreg $0x9  }
0xb4: {  	_ =	task.clear_ibuf [dreg:s9], $0x6FFFF;
	_ =	strace $0x90000046  }
0xb5: {  	s29 =	simm.s32 $0x9;
	_ =	strace $0x80000048  }
0xb6: {  	_ =	swait.ge [sflag:s29], $0x1  }
0xb7: {  	[sflag:s29] =	ssyncadd.s32 $0xFFFFFFFF  }
0xb8: {  	_ =	strace $0x90000048  }
0xb9: {  	_ =	sfence  }
0xba: {  	s30 =	sld [smem:$0x0];
	_ =	sdelay $0x2  }
0xbb: {  	s31 =	sshll.u32 s1, $0xD;
	s1 =	sshrl.u32 s1, $0x2  }
0xbc: {  	s3 =	sand.u32 $0x4000, s31;
	s1 =	sadd.s32 s1, s30  }
0xbd: {  	s0 =	sor.u32 s3, s0;
	s1 =	sshll.u32 s1, $0x11  }
0xbe: {  	s0 =	sor.u32 s1, s0  }
0xbf: {  	s0 =	sadd.s32 $0x8F2B, s0  }
0xc0: {  	[sflag:s0] =	ssyncadd.remote.s32 $0x1  }
0xc1: {  	_ =	sfence.sel $0xFFFF  }
0xc2: {  	[dreg:$0x0] =	wrdreg $0xFFFFFFFF;
	(pc) =	sbr.abs _section_cstart, $3  }
0xc3: {  	[dreg:$0x1] =	wrdreg $0xFFFFFFFF  }
0xc4: {  	_ =	task.clear_ibuf [dreg:s9], $0x2FFFF;
	_ =	strace $0x9FFFFFFF  }
0xc5: {  	(tm) =	ssettm $0x7FFFFFFF  }
tec
execute0_lowered:
.L_overlay_start_1:
0x0: {  	(tag) =	ssettag $0x1  }
0x1: {  	s1 =	srdreg.scid  }
0x2: {  	s0 =	stileid.u32;
	s5 =	sand.u32 $0x1, s1  }
0x3: {  	s2 =	rddreg [dreg:$0x1];
	s3 =	sshll.u32 s0, $0x8;
	s4 =	sshll.u32 s5, $0x7  }
0x4: {  	v0 =	vlaneseq.u32;
	s7 =	rddreg [dreg:$0x2];
	s6 =	sor.u32 s4, s3  }
0x5: {  	s11 =	simm.s32 $0x100;
	v9 =	vimm.s32 $0x9;
	v7 =	vmul.u32 $0x40, v0;
	v1 =	vmov s6;
	s8 =	sor.u32 $0x10, s6;
	s24 =	sor.u32 $0x20, s6  }
0x6: {  	s9 =	sor.u32 $0x30, s6;
	s25 =	sor.u32 $0x40, s6;
	s28 =	sor.u32 $0x50, s6;
	v0 =	vshll.u32 v1, $0x6;
	v1 =	vmov s8;
	v2 =	vmov s24  }
0x7: {  	s12 =	simm.s32 $0x4180;
	s29 =	sor.u32 $0x60, s6;
	s31 =	sor.u32 $0x70, s6;
	v3 =	vmov s9;
	v4 =	vmov s25;
	v5 =	vmov s28  }
0x8: {  	s13 =	simm.s32 $0x1;
	s14 =	simm.s32 $0x8180;
	s1 =	rddreg [dreg:$0x0];
	v6 =	vmov s29;
	v8 =	vmov s31;
	v0 =	vor.u32 v7, v0  }
0x9: {  	s5 =	ssub.s32 $0x2, s5;
	s3 =	rddreg [dreg:$0x3];
	s4 =	simm.s32 $0x0;
	v1 =	vshll.u32 v1, $0x6;
	v2 =	vshll.u32 v2, $0x6;
	v3 =	vshll.u32 v3, $0x6  }
0xa: {  	s15 =	simm.s32 $0x0;
	s10 =	sshrl.u32 s5, $0x1;
	[smem:$0x7FF] =	sst s4;
	v4 =	vshll.u32 v4, $0x6;
	v5 =	vshll.u32 v5, $0x6;
	v6 =	vshll.u32 v6, $0x6  }
0xb: {  	s26 =	ssub.s32 s5, s10;
	s30 =	sshrl.u32 s6, $0x3;
	s10 =	simm.s32 $0x180;
	v8 =	vshll.u32 v8, $0x6;
	v1 =	vor.u32 v7, v1;
	v2 =	vor.u32 v7, v2  }
0xc: {  	_ =	strace $0x80000047;
	s5 =	sadd.s32 s7, s30;
	s6 =	smax.u32 s26, $0x1;
	v3 =	vor.u32 v7, v3;
	v4 =	vor.u32 v7, v4;
	v5 =	vor.u32 v7, v5  }
0xd: {  	s7 =	simm.s32 $0x8;
	s8 =	simm.s32 $0x2;
	s9 =	simm.s32 $0x80;
	v6 =	vor.u32 v7, v6;
	v7 =	vor.u32 v7, v8;
	v8 =	vimm.s32 $0x8  }
.LBB2_1:
0xe: {  	[tilespmem:s7], [sflag:$0x2] =	stream.linear.gather [hbm4b:s2+s4], $0x2, $0x38;
	[tilespmem:$0x8200] =	vst v63  }
0xf: {  	_ =	swait.ge [sflag:s8], $0x2  }
0x10: {  	[sflag:s8] =	ssyncset.done $0x0  }
0x11: {  	[sflag:s8] =	ssyncadd.s32 $0xFFFFFFFE  }
0x12: {  	v10 =	vld.idx.msk [tilespmem:v8+s4+$0x0], $0xffff  }
0x13: {  	v11 =	vld.idx.msk [tilespmem:v9+s4+$0x0], $0xffff;
	_ =	sdelay $0x3  }
0x14: {  	v12 =	vadd.s32 v0, v10  }
0x15: {  	v51 =	vadd.s32 v0, v11;
	[tilespmem:$0x80] =	vst v12  }
0x16: {  	v52 =	vadd.s32 v1, v10;
	[tilespmem:$0x100] =	vst v51  }
0x17: {  	v53 =	vadd.s32 v1, v11;
	[tilespmem:$0x90] =	vst v52  }
0x18: {  	v54 =	vadd.s32 v2, v10;
	[tilespmem:$0x110] =	vst v53  }
0x19: {  	v55 =	vadd.s32 v2, v11;
	[tilespmem:$0xA0] =	vst v54  }
0x1a: {  	v56 =	vadd.s32 v3, v10;
	[tilespmem:$0x120] =	vst v55  }
0x1b: {  	v57 =	vadd.s32 v3, v11;
	[tilespmem:$0xB0] =	vst v56  }
0x1c: {  	v58 =	vadd.s32 v4, v10;
	[tilespmem:$0x130] =	vst v57  }
0x1d: {  	v59 =	vadd.s32 v4, v11;
	[tilespmem:$0xC0] =	vst v58  }
0x1e: {  	v60 =	vadd.s32 v5, v10;
	[tilespmem:$0x140] =	vst v59  }
0x1f: {  	v61 =	vadd.s32 v5, v11;
	[tilespmem:$0xD0] =	vst v60  }
0x20: {  	v62 =	vadd.s32 v6, v10;
	[tilespmem:$0x150] =	vst v61  }
0x21: {  	v63 =	vadd.s32 v6, v11;
	[tilespmem:$0xE0] =	vst v62  }
0x22: {  	v10 =	vadd.s32 v7, v10;
	[tilespmem:$0x160] =	vst v63  }
0x23: {  	[tilespmem:$0xF0] =	vst v10;
	v10 =	vadd.s32 v7, v11  }
0x24: {  	[tilespmem:$0x170] =	vst v10  }
0x25: {  	[tilespmem:s10], [sflag:$0x1] =	stream.indirect.gather [hbm4b:s1+s9], $0x80, s9, s9, $0xb8;
	[tilespmem:$0x8200] =	vst v63  }
0x26: {  	_ = 	snop  }
0x27: {  	[tilespmem:s12], [sflag:$0x1] =	stream.indirect.gather [hbm4b:s1+s9], $0x80, s11, s9, $0xb8;
	[tilespmem:$0x8200] =	vst v63  }
0x28: {  	_ =	swait.ge [sflag:s13], $0x4000  }
0x29: {  	[sflag:s13] =	ssyncset.done $0x0  }
0x2a: {  	[sflag:s13] =	ssyncadd.s32 $0xFFFFC000  }
0x2b: {  	_ =	swait.ge [sflag:s13], $0x4000  }
0x2c: {  	[sflag:s13] =	ssyncset.done $0x0  }
0x2d: {  	s16 =	simm.s32 $0x0;
	[sflag:s13] =	ssyncadd.s32 $0xFFFFC000  }
.LBB2_2:
0x2e: {  	s17 =	sshll.u32 s16, $0x4;
	v12 =	vlaneseq.u32  }
0x2f: {  	v10 =	vmov s17;
	v11 =	vmul.u32 $0x80, v12  }
0x30: {  	v10 =	vshll.u32 v10, $0x7  }
0x31: {  	v10 =	vor.u32 v11, v10  }
0x32: {  	v13 =	vadd.s32 $0x1, v12;
	v11 =	vor.u32 v10, v12  }
0x33: {  	v13 =	vand.u32 $0x7F, v13  }
0x34: {  	v14 =	vadd.s32 $0x3, v12;
	v13 =	vor.u32 v10, v13  }
0x35: {  	v15 =	vadd.s32 $0x2, v12;
	v14 =	vand.u32 $0x7F, v14  }
0x36: {  	v16 =	vadd.s32 $0x4, v12;
	v15 =	vand.u32 $0x7F, v15;
	v14 =	vor.u32 v10, v14  }
0x37: {  	v16 =	vand.u32 $0x7F, v16;
	v15 =	vor.u32 v10, v15;
	v17 =	vld.idx.msk [tilespmem:v11+s10+$0x0], $0xffff  }
0x38: {  	v18 =	vadd.s32 $0x5, v12;
	v16 =	vor.u32 v10, v16;
	v11 =	vld.idx.msk [tilespmem:v11+s12+$0x0], $0xffff  }
0x39: {  	v18 =	vand.u32 $0x7F, v18;
	v19 =	vld.idx.msk [tilespmem:v13+s10+$0x0], $0xffff  }
0x3a: {  	v20 =	vadd.s32 $0x6, v12;
	v18 =	vor.u32 v10, v18;
	v13 =	vld.idx.msk [tilespmem:v13+s12+$0x0], $0xffff  }
0x3b: {  	v20 =	vand.u32 $0x7F, v20;
	v21 =	vld.idx.msk [tilespmem:v14+s10+$0x0], $0xffff  }
0x3c: {  	v20 =	vor.u32 v10, v20;
	v22 =	vld.idx.msk [tilespmem:v15+s12+$0x0], $0xffff  }
0x3d: {  	v24 =	vld.idx.msk [tilespmem:v16+s10+$0x0], $0xffff  }
0x3e: {  	v23 =	vadd.s32 $0x7, v12;
	v14 =	vld.idx.msk [tilespmem:v14+s12+$0x0], $0xffff  }
0x3f: {  	v23 =	vand.u32 $0x7F, v23;
	v25 =	vld.idx.msk [tilespmem:v18+s10+$0x0], $0xffff  }
0x40: {  	v23 =	vor.u32 v10, v23;
	v16 =	vld.idx.msk [tilespmem:v16+s12+$0x0], $0xffff  }
0x41: {  	v26 =	vadd.s32 $0x8, v12;
	v27 =	vld.idx.msk [tilespmem:v20+s10+$0x0], $0xffff  }
0x42: {  	v29 =	vimm.f32 $0.0e+00;
	v28 =	vadd.s32 $0x9, v12;
	v26 =	vand.u32 $0x7F, v26;
	v20 =	vld.idx.msk [tilespmem:v20+s12+$0x0], $0xffff  }
0x43: {  	v30 =	vadd.s32 $0xE, v12;
	v31 =	vadd.s32 $0xF, v12;
	v26 =	vor.u32 v10, v26;
	v15 =	vld.idx.msk [tilespmem:v15+s10+$0x0], $0xffff  }
0x44: {  	v32 =	vadd.s32 $0xA, v12;
	v28 =	vand.u32 $0x7F, v28;
	v30 =	vand.u32 $0x7F, v30;
	v18 =	vld.idx.msk [tilespmem:v18+s12+$0x0], $0xffff  }
0x45: {  	v31 =	vand.u32 $0x7F, v31;
	v30 =	vor.u32 v10, v30;
	v13 =	vsub.f32 v19, v13;
	v19 =	vld.idx.msk [tilespmem:v23+s10+$0x0], $0xffff  }
0x46: {  	v28 =	vor.u32 v10, v28;
	v31 =	vor.u32 v10, v31;
	v14 =	vsub.f32 v21, v14;
	v21 =	vld.idx.msk [tilespmem:v23+s12+$0x0], $0xffff  }
0x47: {  	v11 =	vsub.f32 v17, v11;
	v17 =	vand.u32 $0x7F, v32;
	v16 =	vsub.f32 v24, v16  }
0x48: {  	v23 =	vld.idx.msk [tilespmem:v26+s12+$0x0], $0xffff;
	v24 =	vadd.s32 $0xB, v12;
	v20 =	vsub.f32 v27, v20;
	v27 =	vadd.s32 $0x10, v12  }
0x49: {  	v26 =	vld.idx.msk [tilespmem:v26+s10+$0x0], $0xffff;
	v15 =	vsub.f32 v15, v22;
	v17 =	vor.u32 v10, v17;
	v62 =	vmul.f32 v11, v11  }
0x4a: {  	v33 =	vld.idx.msk [tilespmem:v30+s10+$0x0], $0xffff;
	v18 =	vsub.f32 v25, v18;
	v13 =	vmul.f32 v13, v13;
	v11 =	vand.u32 $0x7F, v24  }
0x4b: {  	v22 =	vld.idx.msk [tilespmem:v28+s10+$0x0], $0xffff;
	v16 =	vmul.f32 v16, v16;
	v19 =	vsub.f32 v19, v21;
	v21 =	vadd.f32 v62, v29  }
0x4c: {  	v24 =	vld.idx.msk [tilespmem:v28+s12+$0x0], $0xffff;
	v15 =	vmul.f32 v15, v15;
	v28 =	vor.u32 v10, v11;
	v11 =	vand.u32 $0x7F, v27  }
0x4d: {  	v30 =	vld.idx.msk [tilespmem:v30+s12+$0x0], $0xffff;
	v27 =	vmul.f32 v20, v20;
	v20 =	vadd.s32 $0xC, v12;
	v13 =	vadd.f32 v13, v21  }
0x4e: {  	v14 =	vmul.f32 v14, v14;
	v20 =	vand.u32 $0x7F, v20;
	v23 =	vsub.f32 v26, v23;
	v29 =	vld.idx.msk [tilespmem:v17+s10+$0x0], $0xffff  }
0x4f: {  	v12 =	vadd.s32 $0xD, v12;
	v20 =	vor.u32 v10, v20;
	v26 =	vld.idx.msk [tilespmem:v17+s12+$0x0], $0xffff;
	v13 =	vadd.f32 v15, v13  }
0x50: {  	v18 =	vmul.f32 v18, v18;
	v12 =	vand.u32 $0x7F, v12;
	v35 =	vmul.f32 v23, v23;
	v23 =	vld.idx.msk [tilespmem:v31+s12+$0x0], $0xffff  }
0x51: {  	v25 =	vadd.s32 $0xE, v11;
	v12 =	vor.u32 v10, v12;
	v63 =	vld.idx.msk [tilespmem:v28+s10+$0x0], $0xffff;
	v13 =	vadd.f32 v14, v13  }
0x52: {  	v19 =	vmul.f32 v19, v19;
	v17 =	vsub.f32 v22, v24;
	v21 =	vadd.s32 $0x1, v11;
	v22 =	vld.idx.msk [tilespmem:v28+s12+$0x0], $0xffff  }
0x53: {  	v28 =	vor.u32 v10, v11;
	v15 =	vand.u32 $0x7F, v21;
	v21 =	vld.idx.msk [tilespmem:v31+s10+$0x0], $0xffff;
	v13 =	vadd.f32 v16, v13  }
0x54: {  	v17 =	vmul.f32 v17, v17;
	v31 =	vand.u32 $0x7F, v25;
	v34 =	vld.idx.msk [tilespmem:v20+s10+$0x0], $0xffff;
	v36 =	vor.u32 v10, v15  }
0x55: {  	v15 =	vadd.s32 $0x2, v11;
	v14 =	vld.idx.msk [tilespmem:v20+s12+$0x0], $0xffff;
	v20 =	vadd.s32 $0x3, v11;
	v13 =	vadd.f32 v18, v13  }
0x56: {  	v15 =	vand.u32 $0x7F, v15;
	v37 =	vsub.f32 v29, v26;
	v26 =	vld.idx.msk [tilespmem:v12+s12+$0x0], $0xffff;
	v20 =	vand.u32 $0x7F, v20  }
0x57: {  	v29 =	vld.idx.msk [tilespmem:v12+s10+$0x0], $0xffff;
	v24 =	vor.u32 v10, v20;
	v20 =	vadd.s32 $0x4, v11;
	v13 =	vadd.f32 v27, v13  }
0x58: {  	v15 =	vor.u32 v10, v15;
	v32 =	vsub.f32 v63, v22;
	v16 =	vld.idx.msk [tilespmem:v28+s10+$0x0], $0xffff;
	v22 =	vand.u32 $0x7F, v20  }
0x59: {  	v12 =	vadd.s32 $0x5, v11;
	v18 =	vld.idx.msk [tilespmem:v28+s12+$0x0], $0xffff;
	v25 =	vor.u32 v10, v22;
	v13 =	vadd.f32 v19, v13  }
0x5a: {  	v20 =	vsub.f32 v33, v30;
	v22 =	vand.u32 $0x7F, v12;
	v12 =	vor.u32 v10, v31;
	v30 =	vld.idx.msk [tilespmem:v36+s12+$0x0], $0xffff  }
0x5b: {  	v28 =	vadd.s32 $0x6, v11;
	v31 =	vsub.f32 v34, v14;
	v14 =	vor.u32 v10, v22;
	v27 =	vld.idx.msk [tilespmem:v36+s10+$0x0], $0xffff  }
0x5c: {  	v33 =	vmul.f32 v37, v37;
	v32 =	vmul.f32 v32, v32;
	v28 =	vand.u32 $0x7F, v28;
	v22 =	vld.idx.msk [tilespmem:v24+s10+$0x0], $0xffff  }
0x5d: {  	s18 =	simm.s32 $0x10;
	v34 =	vadd.s32 $0x7, v11;
	v28 =	vor.u32 v10, v28;
	v19 =	vld.idx.msk [tilespmem:v15+s12+$0x0], $0xffff;
	v35 =	vadd.f32 v35, v13;
	v13 =	vmovc v11  }
.LBB2_3:
0x5e: {  	s18 =	sadd.s32 $0x10, s18;
	v36 =	vld.idx.msk [tilespmem:v25+s10+$0x0], $0xffff;
	v34 =	vand.u32 $0x7F, v34;
	v37 =	vadd.s32 $0xF, v11;
	v21 =	vsub.f32 v21, v23  }
0x5f: {  	v26 =	vsub.f32 v29, v26;
	p0 =	slt.u32 s18, $0x70;
	v23 =	vld.idx.msk [tilespmem:v24+s12+$0x0], $0xffff;
	v24 =	vand.u32 $0x7F, v37;
	v17 =	vadd.f32 v17, v35  }
0x60: {  	v31 =	vmul.f32 v31, v31;
	v34 =	vor.u32 v10, v34;
	v35 =	vadd.s32 $0x8, v11;
	v29 =	vld.idx.msk [tilespmem:v14+s10+$0x0], $0xffff  }
0x61: {  	v27 =	vsub.f32 v27, v30;
	v30 =	vand.u32 $0x7F, v35;
	v25 =	vld.idx.msk [tilespmem:v25+s12+$0x0], $0xffff;
	v17 =	vadd.f32 v33, v17  }
0x62: {  	v35 =	vadd.s32 $0x9, v11;
	v26 =	vmul.f32 v26, v26;
	v30 =	vor.u32 v10, v30;
	v33 =	vld.idx.msk [tilespmem:v28+s10+$0x0], $0xffff  }
0x63: {  	v24 =	vor.u32 v10, v24;
	v35 =	vand.u32 $0x7F, v35;
	v28 =	vld.idx.msk [tilespmem:v28+s12+$0x0], $0xffff;
	v17 =	vadd.f32 v32, v17  }
0x64: {  	v21 =	vmul.f32 v21, v21;
	v32 =	vor.u32 v10, v35;
	v35 =	vadd.s32 $0xA, v11;
	v15 =	vld.idx.msk [tilespmem:v15+s10+$0x0], $0xffff  }
0x65: {  	v20 =	vmul.f32 v20, v20;
	v22 =	vsub.f32 v22, v23;
	v23 =	vld.idx.msk [tilespmem:v34+s10+$0x0], $0xffff;
	v17 =	vadd.f32 v31, v17  }
0x66: {  	v16 =	vsub.f32 v16, v18;
	v18 =	vmul.f32 v27, v27;
	v31 =	vand.u32 $0x7F, v35;
	v27 =	vld.idx.msk [tilespmem:v34+s12+$0x0], $0xffff  }
0x67: {  	v35 =	vadd.s32 $0xB, v11;
	v25 =	vsub.f32 v36, v25;
	v34 =	vld.idx.msk [tilespmem:v30+s12+$0x0], $0xffff;
	v17 =	vadd.f32 v26, v17  }
0x68: {  	v16 =	vmul.f32 v16, v16;
	v26 =	vld.idx.msk [tilespmem:v30+s10+$0x0], $0xffff;
	v30 =	vor.u32 v10, v31;
	v31 =	vand.u32 $0x7F, v35  }
0x69: {  	v11 =	vadd.s32 $0x10, v11;
	v28 =	vsub.f32 v33, v28;
	v33 =	vld.idx.msk [tilespmem:v32+s12+$0x0], $0xffff;
	v17 =	vadd.f32 v20, v17  }
0x6a: {  	v11 =	vand.u32 $0x7F, v11;
	v15 =	vsub.f32 v15, v19;
	v20 =	vor.u32 v10, v31;
	v19 =	vld.idx.msk [tilespmem:v32+s10+$0x0], $0xffff  }
0x6b: {  	v31 =	vadd.s32 $0xC, v13;
	v28 =	vmul.f32 v28, v28;
	v14 =	vld.idx.msk [tilespmem:v14+s12+$0x0], $0xffff;
	v17 =	vadd.f32 v21, v17  }
0x6c: {  	v25 =	vmul.f32 v25, v25;
	v21 =	vsub.f32 v23, v27;
	v23 =	vand.u32 $0x7F, v31;
	v27 =	vld.idx.msk [tilespmem:v12+s10+$0x0], $0xffff  }
0x6d: {  	v23 =	vor.u32 v10, v23;
	v16 =	vadd.f32 v16, v17;
	v31 =	vld.idx.msk [tilespmem:v30+s10+$0x0], $0xffff;
	v17 =	vadd.s32 $0xD, v13;
	v13 =	vmovc v11  }
0x6e: {  	v15 =	vmul.f32 v15, v15;
	v32 =	vmul.f32 v21, v21;
	v21 =	vsub.f32 v26, v34;
	v26 =	vld.idx.msk [tilespmem:v30+s12+$0x0], $0xffff  }
0x6f: {  	v17 =	vand.u32 $0x7F, v17;
	v16 =	vadd.f32 v18, v16;
	v18 =	vmul.f32 v22, v22;
	v22 =	vld.idx.msk [tilespmem:v20+s10+$0x0], $0xffff  }
0x70: {  	v35 =	vmul.f32 v21, v21;
	v19 =	vsub.f32 v19, v33;
	v30 =	vor.u32 v10, v17;
	v20 =	vld.idx.msk [tilespmem:v20+s12+$0x0], $0xffff  }
0x71: {  	v33 =	vor.u32 v10, v11;
	v17 =	vadd.s32 $0x1, v11;
	v15 =	vadd.f32 v15, v16;
	v12 =	vld.idx.msk [tilespmem:v12+s12+$0x0], $0xffff  }
0x72: {  	v14 =	vsub.f32 v29, v14;
	v16 =	vand.u32 $0x7F, v17;
	v17 =	vmul.f32 v19, v19;
	v19 =	vld.idx.msk [tilespmem:v23+s10+$0x0], $0xffff  }
0x73: {  	v34 =	vor.u32 v10, v16;
	v16 =	vadd.s32 $0x2, v11;
	v18 =	vadd.f32 v18, v15;
	v36 =	vld.idx.msk [tilespmem:v23+s12+$0x0], $0xffff  }
0x74: {  	v14 =	vmul.f32 v14, v14;
	v15 =	vand.u32 $0x7F, v16;
	v37 =	vsub.f32 v31, v26;
	v21 =	vld.idx.msk [tilespmem:v24+s10+$0x0], $0xffff  }
0x75: {  	v16 =	vadd.s32 $0x3, v11;
	v15 =	vor.u32 v10, v15;
	v18 =	vadd.f32 v25, v18;
	v23 =	vld.idx.msk [tilespmem:v24+s12+$0x0], $0xffff  }
0x76: {  	v24 =	vand.u32 $0x7F, v16;
	v25 =	vadd.s32 $0xE, v11;
	v38 =	vsub.f32 v22, v20;
	v26 =	vld.idx.msk [tilespmem:v30+s12+$0x0], $0xffff  }
0x77: {  	v20 =	vadd.s32 $0x4, v11;
	v24 =	vor.u32 v10, v24;
	v16 =	vld.idx.msk [tilespmem:v33+s10+$0x0], $0xffff;
	v14 =	vadd.f32 v14, v18  }
0x78: {  	v22 =	vand.u32 $0x7F, v20;
	v31 =	vand.u32 $0x7F, v25;
	v20 =	vsub.f32 v27, v12;
	v29 =	vld.idx.msk [tilespmem:v30+s10+$0x0], $0xffff  }
.Ltmp0:
0x79: {  	v12 =	vadd.s32 $0x5, v11;
	v25 =	vor.u32 v10, v22;
	v18 =	vld.idx.msk [tilespmem:v33+s12+$0x0], $0xffff;
	v22 =	vadd.f32 v28, v14;
	(pc) =	sbr.rel @p0 .LBB2_3-.Ltmp0, $4  }
0x7a: {  	v14 =	vand.u32 $0x7F, v12;
	v12 =	vor.u32 v10, v31;
	v31 =	vsub.f32 v19, v36;
	v27 =	vld.idx.msk [tilespmem:v34+s10+$0x0], $0xffff  }
0x7b: {  	v19 =	vadd.s32 $0x6, v11;
	v14 =	vor.u32 v10, v14;
	v30 =	vld.idx.msk [tilespmem:v34+s12+$0x0], $0xffff;
	v32 =	vadd.f32 v32, v22  }
0x7c: {  	v33 =	vmul.f32 v37, v37;
	v28 =	vand.u32 $0x7F, v19;
	v34 =	vadd.s32 $0x7, v11;
	v22 =	vld.idx.msk [tilespmem:v24+s10+$0x0], $0xffff  }
0x7d: {  	v28 =	vor.u32 v10, v28;
	v19 =	vld.idx.msk [tilespmem:v15+s12+$0x0], $0xffff;
	v35 =	vadd.f32 v35, v32;
	v32 =	vmul.f32 v38, v38  }
0x7e: {  	_ = 	snop  }
0x7f: {  	v17 =	vadd.f32 v17, v35;
	_ =	sdelay $0x1  }
0x80: {  	v17 =	vadd.f32 v33, v17;
	_ =	sdelay $0x1  }
0x81: {  	v26 =	vsub.f32 v29, v26;
	v57 =	vmul.f32 v31, v31;
	v17 =	vadd.f32 v32, v17;
	_ =	sdelay $0x1  }
0x82: {  	v26 =	vmul.f32 v26, v26;
	v17 =	vadd.f32 v57, v17;
	_ =	sdelay $0x1  }
0x83: {  	v21 =	vsub.f32 v21, v23;
	v20 =	vmul.f32 v20, v20;
	v17 =	vadd.f32 v26, v17  }
0x84: {  	v15 =	vld.idx.msk [tilespmem:v15+s10+$0x0], $0xffff  }
0x85: {  	v58 =	vld.idx.msk [tilespmem:v25+s10+$0x0], $0xffff;
	v16 =	vsub.f32 v16, v18;
	v21 =	vmul.f32 v21, v21;
	v17 =	vadd.f32 v20, v17  }
0x86: {  	v59 =	vand.u32 $0x7F, v34;
	v60 =	vld.idx.msk [tilespmem:v24+s12+$0x0], $0xffff;
	v61 =	vadd.s32 $0x8, v11  }
0x87: {  	v63 =	vld.idx.msk [tilespmem:v25+s12+$0x0], $0xffff;
	v62 =	vsub.f32 v27, v30;
	v16 =	vmul.f32 v16, v16;
	v17 =	vadd.f32 v21, v17  }
0x88: {  	v34 =	vld.idx.msk [tilespmem:v28+s10+$0x0], $0xffff;
	v18 =	vor.u32 v10, v59;
	v24 =	vand.u32 $0x7F, v61;
	v33 =	vadd.s32 $0x9, v11  }
0x89: {  	v38 =	vld.idx.msk [tilespmem:v14+s12+$0x0], $0xffff;
	v15 =	vsub.f32 v15, v19;
	v26 =	vmul.f32 v62, v62;
	v16 =	vadd.f32 v16, v17  }
0x8a: {  	v37 =	vadd.s32 $0xA, v11;
	v35 =	vor.u32 v10, v24;
	v36 =	vand.u32 $0x7F, v33;
	v32 =	vld.idx.msk [tilespmem:v14+s10+$0x0], $0xffff  }
0x8b: {  	v39 =	vld.idx.msk [tilespmem:v28+s12+$0x0], $0xffff;
	v15 =	vmul.f32 v15, v15;
	v20 =	vsub.f32 v22, v60;
	v16 =	vadd.f32 v26, v16  }
0x8c: {  	v42 =	vadd.s32 $0xB, v11;
	v40 =	vand.u32 $0x7F, v37;
	v19 =	vor.u32 v10, v36  }
0x8d: {  	v23 =	vsub.f32 v58, v63;
	v41 =	vld.idx.msk [tilespmem:v18+s10+$0x0], $0xffff;
	v20 =	vmul.f32 v20, v20;
	v15 =	vadd.f32 v15, v16  }
0x8e: {  	v49 =	vadd.s32 $0xC, v13;
	v45 =	vand.u32 $0x7F, v42;
	v44 =	vor.u32 v10, v40;
	v43 =	vld.idx.msk [tilespmem:v18+s12+$0x0], $0xffff  }
0x8f: {  	v46 =	vld.idx.msk [tilespmem:v35+s12+$0x0], $0xffff;
	v23 =	vmul.f32 v23, v23;
	v14 =	vsub.f32 v32, v38;
	v15 =	vadd.f32 v20, v15  }
0x90: {  	v51 =	vadd.s32 $0xD, v13;
	v48 =	vor.u32 v10, v45;
	v47 =	vsub.f32 v34, v39;
	v17 =	vld.idx.msk [tilespmem:v35+s10+$0x0], $0xffff  }
0x91: {  	v50 =	vld.idx.msk [tilespmem:v19+s12+$0x0], $0xffff;
	v22 =	vand.u32 $0x7F, v49;
	v14 =	vmul.f32 v14, v14;
	v15 =	vadd.f32 v23, v15  }
0x92: {  	v13 =	vand.u32 $0x7F, v51;
	v19 =	vld.idx.msk [tilespmem:v19+s10+$0x0], $0xffff;
	v22 =	vor.u32 v10, v22  }
0x93: {  	v52 =	vld.idx.msk [tilespmem:v44+s10+$0x0], $0xffff;
	v16 =	vsub.f32 v41, v43;
	v20 =	vmul.f32 v47, v47;
	v14 =	vadd.f32 v14, v15  }
0x94: {  	v13 =	vor.u32 v10, v13;
	v11 =	vadd.s32 $0xF, v11;
	v53 =	vld.idx.msk [tilespmem:v44+s12+$0x0], $0xffff  }
0x95: {  	v54 =	vld.idx.msk [tilespmem:v48+s10+$0x0], $0xffff;
	v17 =	vsub.f32 v17, v46;
	v16 =	vmul.f32 v16, v16;
	v14 =	vadd.f32 v20, v14  }
0x96: {  	v11 =	vand.u32 $0x7F, v11;
	v55 =	vld.idx.msk [tilespmem:v48+s12+$0x0], $0xffff  }
0x97: {  	v19 =	vsub.f32 v19, v50;
	v56 =	vld.idx.msk [tilespmem:v22+s10+$0x0], $0xffff;
	v17 =	vmul.f32 v17, v17;
	v14 =	vadd.f32 v16, v14  }
0x98: {  	v10 =	vor.u32 v10, v11;
	v11 =	vld.idx.msk [tilespmem:v22+s12+$0x0], $0xffff  }
0x99: {  	v58 =	vld.idx.msk [tilespmem:v13+s12+$0x0], $0xffff;
	v57 =	vmul.f32 v19, v19;
	v15 =	vsub.f32 v52, v53;
	v14 =	vadd.f32 v17, v14  }
0x9a: {  	v13 =	vld.idx.msk [tilespmem:v13+s10+$0x0], $0xffff  }
0x9b: {  	v59 =	vld.idx.msk [tilespmem:v12+s10+$0x0], $0xffff;
	v18 =	vsub.f32 v54, v55;
	v15 =	vmul.f32 v15, v15;
	v14 =	vadd.f32 v57, v14  }
0x9c: {  	v60 =	vld.idx.msk [tilespmem:v12+s12+$0x0], $0xffff  }
0x9d: {  	v18 =	vmul.f32 v18, v18;
	v61 =	vld.idx.msk [tilespmem:v10+s10+$0x0], $0xffff;
	v11 =	vsub.f32 v56, v11;
	v14 =	vadd.f32 v15, v14  }
0x9e: {  	v10 =	vld.idx.msk [tilespmem:v10+s12+$0x0], $0xffff  }
0x9f: {  	v13 =	vsub.f32 v13, v58;
	v11 =	vmul.f32 v11, v11;
	v14 =	vadd.f32 v18, v14;
	_ =	sdelay $0x1  }
0xa0: {  	v13 =	vmul.f32 v13, v13;
	v12 =	vsub.f32 v59, v60;
	v11 =	vadd.f32 v11, v14;
	_ =	sdelay $0x1  }
0xa1: {  	v12 =	vmul.f32 v12, v12;
	v10 =	vsub.f32 v61, v10;
	v11 =	vadd.f32 v13, v11;
	_ =	sdelay $0x1  }
0xa2: {  	v10 =	vmul.f32 v10, v10;
	v11 =	vadd.f32 v12, v11;
	_ =	sdelay $0x1  }
0xa3: {  	v10 =	vadd.f32 v10, v11;
	_ =	sdelay $0x1  }
0xa4: {  	v10 =	vadd.f32 $9.999999960e-13, v10;
	_ =	sdelay $0x1  }
0xa5: {  	v11 =	vshra.s32 v10, $0x1;
	v62 =	vmul.f32 $5.000000000e-01, v10  }
0xa6: {  	v11 =	vsub.s32 $0x5F3759DF, v11  }
0xa7: {  	v63 =	vmul.f32 v11, v62;
	_ =	sdelay $0x1  }
0xa8: {  	v13 =	vmul.f32 v11, v63;
	_ =	sdelay $0x1  }
0xa9: {  	v13 =	vsub.f32 $1.500000000e+00, v13;
	_ =	sdelay $0x1  }
0xaa: {  	v11 =	vmul.f32 v11, v13;
	_ =	sdelay $0x1  }
0xab: {  	v13 =	vmul.f32 v11, v62;
	_ =	sdelay $0x1  }
0xac: {  	v13 =	vmul.f32 v13, v11;
	_ =	sdelay $0x1  }
0xad: {  	v13 =	vsub.f32 $1.500000000e+00, v13;
	_ =	sdelay $0x1  }
0xae: {  	v11 =	vmul.f32 v13, v11;
	_ =	sdelay $0x1  }
0xaf: {  	v12 =	vmul.f32 v11, v62;
	_ =	sdelay $0x1  }
0xb0: {  	v12 =	vmul.f32 v12, v11;
	_ =	sdelay $0x1  }
0xb1: {  	v12 =	vsub.f32 $1.500000000e+00, v12;
	_ =	sdelay $0x1  }
0xb2: {  	v11 =	vmul.f32 v12, v11;
	_ =	sdelay $0x1  }
0xb3: {  	v10 =	vmul.f32 v11, v10;
	_ =	sdelay $0x1  }
0xb4: {  	v10 =	vadd.f32 $-4.000000000e+00, v10;
	_ =	sdelay $0x1  }
0xb5: {  	v10 =	vmul.f32 $1.442695020e+00, v10;
	_ =	sdelay $0x1  }
0xb6: {  	(erf) = vpow2.f32 v10;
	_ =	sdelay $0x8  }
0xb7: {  	v10 =	vpop (erf)  }
0xb8: {  	v10 =	vadd.f32 $1.000000000e+00, v10;
	_ =	sdelay $0x1  }
0xb9: {  	(erf) = vrcp.f32 v10;
	_ =	sdelay $0x7  }
0xba: {  	s16 =	sadd.s32 $0x1, s16  }
0xbb: {  	p0 =	sne.s32 s16, $0x8;
	v10 =	vpop (erf)  }
.Ltmp1:
0xbc: {  	v10 =	vmul.f32 $9.800000190e-01, v10;
	(pc) =	sbr.rel @p0 .LBB2_2-.Ltmp1, $3  }
0xbd: {  	_ = 	snop  }
0xbe: {  	v10 =	vadd.f32 $9.999999770e-03, v10;
	_ =	sdelay $0x1  }
0xbf: {  	[tilespmem:s17+$0x8180] =	vst v10  }
0xc0: {  	s15 =	sadd.s32 $0x1, s15  }
0xc1: {  	p0 =	sne.s32 s15, s6  }
.Ltmp2:
0xc2: {  	_ = 	snop;
	(pc) =	sbr.rel @p0 .LBB2_1-.Ltmp2, $4  }
0xc3: {  	[hbm4b:s5+s4] =	stream.linear.scatter [tilespmem:s14], [sflag:$0x2], $0x80, $0x38;
	[tilespmem:$0x8200] =	vst v63  }
0xc4: {  	_ =	swait.ge [sflag:s8], $0x80  }
0xc5: {  	[sflag:s8] =	ssyncset.done $0x0  }
0xc6: {  	[sflag:s8] =	ssyncadd.s32 $0xFFFFFF80  }
0xc7: {  	_ =	sfence.sel $0x180000  }
0xc8: {  	[bflag:$0x0] =	sbarrier.arrive $0xFFFF  }
0xc9: {  	p0 =	sne.s32 s0, $0x0;
	_ =	strace $0x90000047  }
0xca: {  	s0 =	sadd.s32 @!p0 $0x100000, s3;
	[bflag:$0x2] =	sbarrier.arrive $0xFFFF  }
0xcb: {  	[sflag:s0] =	ssyncadd.tile.s32 @!p0 $0x1;
	_ =	shalt  }
.Lfunc_end2:
_tile_overlayer_lowered:
.L_overlay_start_2:
0xcc: {  	(tag) =	ssettag $0x2  }
0xcd: {  	s0 =	rddreg [dreg:$0x0];
	s2 =	stileid.u32  }
0xce: {  	s1 =	rddreg [dreg:$0x1];
	p0 =	sne.s32 s2, $0x0  }
0xcf: {  	s3 =	rddreg [dreg:$0x2];
	[bflag:$0x3] =	sbarrier.arrive $0xFFFF;
	s2 =	simm.s32 @!p0 $0x1C02  }
0xd0: {  	[timem:s3], [sflag:s2] =	dma.local @!p0 [hbm:s0], s1  }
0xd1: {  	s0 =	simm.s32 @!p0 $0x2  }
0xd2: {  	_ =	swait.ge @!p0 [sflag:s0], s1  }
0xd3: {  	s1 =	ssub.s32 @!p0 $0x0, s1;
	[sflag:s0] =	ssyncset.done @!p0 $0x0  }
0xd4: {  	[sflag:s0] =	ssyncadd.s32 @!p0 s1  }
0xd5: {  	[bflag:$0x3] =	sbarrier.arrive $0xFFFF  }
0xd6: {  	_ =	shalt  }

</sc_bundles>
